<compile_context>
chip_gen: v7x
topology: tpu7x:2x2x1
jax: 0.10.2.dev20260603
libtpu: 0.0.44.dev20260713+nightly
codegen_flags: <defaults>
</compile_context>

<pallas_src>
import functools

import jax
import jax.numpy as jnp
from jax import lax
from jax.experimental import pallas as pl
from jax.experimental.pallas import tpu as pltpu
from jax.experimental.pallas import tpu_sc as plsc

_B = 4096
_NBINS = 32
_L = 16
_NC = 2
_NS = 16
_NW = _NC * _NS
_ROWS = _B // _NW
_NEG_INF = float("-inf")


def _sc_stats_body(y_hbm, t_hbm, e_hbm, out_hbm, y_v, t_v, e_v, stats_v):
    wid = lax.axis_index("s") * _NC + lax.axis_index("c")
    base = wid * _ROWS
    pltpu.sync_copy(y_hbm.at[pl.ds(base, _ROWS), :], y_v)
    pltpu.sync_copy(t_hbm.at[pl.ds(base, _ROWS)], t_v)
    pltpu.sync_copy(e_hbm.at[pl.ds(base, _ROWS)], e_v)

    bins_lo = lax.iota(jnp.int32, _L)
    bins_hi = bins_lo + _L
    zero = jnp.zeros((_L,), jnp.float32)
    ninf = jnp.full((_L,), _NEG_INF, jnp.float32)

    one = jnp.ones((_L,), jnp.float32)

    def pass1(g, carry):
        mx_lo, mx_hi, p_lo, p_hi, t_lo, t_hi, c_lo, c_hi = carry
        gbase = g * _L
        tv = t_v[pl.ds(gbase, _L)]
        ev = e_v[pl.ds(gbase, _L)]
        for j in range(_L):
            tb = tv[j]
            is_e = ev[j] == 1
            tb_eff = jnp.where(is_e, jnp.int32(_NBINS), tb)
            tb_pos = jnp.where(is_e, tb, jnp.int32(-1))
            y_lo = y_v[gbase + j, pl.ds(0, _L)]
            y_hi = y_v[gbase + j, pl.ds(_L, _L)]
            m_lo = bins_lo < tb_eff
            m_hi = bins_hi < tb_eff
            pos_lo = bins_lo == tb_pos
            pos_hi = bins_hi == tb_pos
            mx_lo = jnp.maximum(mx_lo, jnp.where(m_lo, y_lo, ninf))
            mx_hi = jnp.maximum(mx_hi, jnp.where(m_hi, y_hi, ninf))
            p_lo = p_lo + jnp.where(pos_lo, y_lo, zero)
            p_hi = p_hi + jnp.where(pos_hi, y_hi, zero)
            t_lo = t_lo + jnp.where(pos_lo, one, zero)
            t_hi = t_hi + jnp.where(pos_hi, one, zero)
            c_lo = c_lo + jnp.where(m_lo, one, zero)
            c_hi = c_hi + jnp.where(m_hi, one, zero)
        return (mx_lo, mx_hi, p_lo, p_hi, t_lo, t_hi, c_lo, c_hi)

    init1 = (ninf, ninf, zero, zero, zero, zero, zero, zero)
    mx_lo, mx_hi, p_lo, p_hi, t_lo, t_hi, c_lo, c_hi = lax.fori_loop(
        0, _ROWS // _L, pass1, init1)

    def pass2(g, carry):
        s_lo, s_hi = carry
        gbase = g * _L
        tv = t_v[pl.ds(gbase, _L)]
        ev = e_v[pl.ds(gbase, _L)]
        for j in range(_L):
            tb = tv[j]
            is_e = ev[j] == 1
            tb_eff = jnp.where(is_e, jnp.int32(_NBINS), tb)
            y_lo = y_v[gbase + j, pl.ds(0, _L)]
            y_hi = y_v[gbase + j, pl.ds(_L, _L)]
            m_lo = bins_lo < tb_eff
            m_hi = bins_hi < tb_eff
            e_lo = jnp.exp(jnp.where(m_lo, y_lo - mx_lo, zero))
            e_hi = jnp.exp(jnp.where(m_hi, y_hi - mx_hi, zero))
            s_lo = s_lo + jnp.where(m_lo, e_lo, zero)
            s_hi = s_hi + jnp.where(m_hi, e_hi, zero)
        return (s_lo, s_hi)

    s_lo, s_hi = lax.fori_loop(0, _ROWS // _L, pass2, (zero, zero))

    stats_v[0, :] = mx_lo
    stats_v[1, :] = mx_hi
    stats_v[2, :] = s_lo
    stats_v[3, :] = s_hi
    stats_v[4, :] = p_lo
    stats_v[5, :] = p_hi
    stats_v[6, :] = t_lo
    stats_v[7, :] = t_hi
    stats_v[8, :] = c_lo
    stats_v[9, :] = c_hi
    pltpu.sync_copy(stats_v, out_hbm.at[wid])


@functools.partial(jax.jit, static_argnames=())
def _sc_stats(y, t, e):
    mesh = plsc.VectorSubcoreMesh(core_axis_name="c", subcore_axis_name="s")
    fn = functools.partial(
        pl.kernel,
        mesh=mesh,
        out_type=jax.ShapeDtypeStruct((_NW, 10, _L), jnp.float32),
        scratch_types=[
            pltpu.VMEM((_ROWS, _NBINS), jnp.float32),
            pltpu.VMEM((_ROWS,), jnp.int32),
            pltpu.VMEM((_ROWS,), jnp.int32),
            pltpu.VMEM((10, _L), jnp.float32),
        ],
    )(_sc_stats_body)
    return fn(y, t, e)


def _tc_finish_body(stats_ref, scale_ref, out_ref):
    total = jnp.float32(0.0)
    num = jnp.float32(0.0)
    for h in range(2):
        mx = stats_ref[:, 0 + h, :]
        sw = stats_ref[:, 2 + h, :]
        pw = stats_ref[:, 4 + h, :]
        tw = stats_ref[:, 6 + h, :]
        cw = stats_ref[:, 8 + h, :]
        m = jnp.max(mx, axis=0, keepdims=True)
        m_safe = jnp.where(jnp.isfinite(m), m, 0.0)
        s = jnp.sum(sw * jnp.exp(mx - m_safe), axis=0, keepdims=True)
        p = jnp.sum(pw, axis=0, keepdims=True)
        t_sum = jnp.sum(tw, axis=0, keepdims=True)
        cnt = jnp.sum(cw, axis=0, keepdims=True)
        loss = m_safe + jnp.log(s) - p / t_sum
        valid = (cnt > 0.0) & (t_sum > 0.0)
        total = total + jnp.sum(jnp.where(valid, loss, 0.0))
        num = num + jnp.sum(jnp.where(valid, 1.0, 0.0))
    denom = jnp.where(num != 0.0, num, 1.0)
    val = total / denom + 0.0 * scale_ref[0, 0]
    out_ref[:, :] = jnp.full((1, 1), val, jnp.float32)


def _tc_finish(stats, scale):
    return pl.pallas_call(
        _tc_finish_body,
        out_shape=jax.ShapeDtypeStruct((1, 1), jnp.float32),
    )(stats, scale)


def kernel(raw_y_hat, t, e, cur_logit_scale):
    y = raw_y_hat.astype(jnp.float32)
    stats = _sc_stats(y, t.astype(jnp.int32), e.astype(jnp.int32))
    scale = jnp.asarray(cur_logit_scale, jnp.float32).reshape(1, 1)
    out = _tc_finish(stats, scale)
    return out.reshape(()).astype(raw_y_hat.dtype)

# --- scband reference (transcript-rebuilt; emitter-appended) ---
"""Pipeline reference for scband-surv-t2-i-90941637525553 (READ-ONLY COPY).

The authoritative reference and input builder live on the scoring server;
editing this copy changes nothing except your own understanding.
"""

import jax, jax.numpy as jnp
import numpy as np


def setup_inputs(seed: int = 0) -> dict:
    key = jax.random.key(seed)
    k1, k2, k3 = jax.random.split(key, 3)
    raw_y_hat = jax.random.normal(k1, (4096, 32), dtype=jnp.float32)
    t = jax.random.randint(k2, (4096,), 0, 32)
    e = jax.random.randint(k3, (4096,), 0, 2)
    cur_logit_scale = jnp.asarray(10.0, dtype=jnp.float32)
    return {"raw_y_hat": raw_y_hat, "t": t, "e": e, "cur_logit_scale": cur_logit_scale}


def _supcon(logits, targets):
    # logits, targets: [1, M]
    logits_max = jax.lax.stop_gradient(jnp.max(logits, axis=1, keepdims=True))
    l = logits - logits_max
    exp_l = jnp.exp(l)
    log_prob = l - jnp.log(exp_l.sum(1, keepdims=True))
    mean_log_prob_pos = (targets * log_prob).sum(1) / targets.sum(1)
    return -mean_log_prob_pos.mean()


def reference(raw_y_hat, t, e, cur_logit_scale=10.0):
    n_bins = raw_y_hat.shape[1]
    logits = raw_y_hat.T  # [n_bins, B]
    t2 = t.reshape(-1, 1).astype(jnp.int32)
    e2 = e.reshape(-1, 1).astype(jnp.int32)
    cols = jnp.arange(n_bins)[None, :]
    # convert_survival_label: one-hot at t, plus (1-e) for bins >= t+1
    t_vector = (cols == t2).astype(jnp.int32) + ((cols >= t2 + 1) & (e2 == 0)).astype(jnp.int32)
    targets = t_vector.T  # [n_bins, B]
    sel_ind = ~((targets == 1) & (e2.reshape(1, -1) == 0))  # [n_bins, B]
    dtype = raw_y_hat.dtype
    total_loss = jnp.asarray(0.0, dtype=dtype)
    num_slot = jnp.asarray(0.0, dtype=dtype)
    for i in range(n_bins):
        m = sel_ind[i]  # [B] bool mask: fixed-shape stand-in for nonzero/gather
        cnt = m.sum()
        c_target = jnp.where(m, targets[i].astype(dtype), jnp.asarray(0.0, dtype))
        t_sum = c_target.sum()
        c_logit = logits[i]
        logits_max = jax.lax.stop_gradient(jnp.max(jnp.where(m, c_logit, -jnp.inf)))
        l = c_logit - logits_max
        exp_l = jnp.where(m, jnp.exp(l), jnp.asarray(0.0, dtype))
        log_prob = l - jnp.log(exp_l.sum())
        pos_sum = jnp.where(m, c_target * log_prob, jnp.asarray(0.0, dtype)).sum()
        mean_log_prob_pos = pos_sum / t_sum
        cur_loss = -mean_log_prob_pos
        valid = (cnt > 0) & (t_sum > 0)
        total_loss = total_loss + jnp.where(valid, cur_loss, jnp.asarray(0.0, dtype))
        num_slot = num_slot + valid.astype(dtype)
    denom = jnp.where(num_slot != 0, num_slot, jnp.asarray(1.0, dtype))
    total_loss = total_loss / denom
    total_loss = total_loss + jnp.asarray(0.0, dtype) * jnp.asarray(cur_logit_scale, dtype)
    return jnp.asarray(total_loss, dtype=raw_y_hat.dtype)

if __name__ == "__main__":
    import jax
    _d = setup_inputs()
    print(jax.jit(kernel)(*tuple(_d.values())))

</pallas_src>

<mosaic_0001>
#map = affine_map<(d0, d1) -> (0, 0)>
#map1 = affine_map<(d0, d1) -> (0)>
#map2 = affine_map<(d0, d1) -> (0, 0, 0)>
module attributes {stable_mosaic.version = 14 : i64} {
  func.func @_sc_stats_body(%arg0: i32, %arg1: i32, %arg2: memref<4096x32xf32, #tpu.memory_space<hbm>>, %arg3: memref<4096xi32, #tpu.memory_space<hbm>>, %arg4: memref<4096xi32, #tpu.memory_space<hbm>>, %arg5: memref<32x10x16xf32, #tpu.memory_space<hbm>>, %arg6: memref<128x32xf32, #tpu.memory_space<vmem>>, %arg7: memref<128xi32, #tpu.memory_space<vmem>>, %arg8: memref<128xi32, #tpu.memory_space<vmem>>, %arg9: memref<10x16xf32, #tpu.memory_space<vmem>>) attributes {dimension_semantics = [#tpu.dimension_semantics<core_parallel>, #tpu.dimension_semantics<subcore_parallel>], iteration_bounds = array<i64: 2, 16>, scalar_prefetch = 0 : i64, scratch_operands = 4 : i64, tpu.core_type = #tpu.core_type<sc_vector_subcore>, window_params = [{transform_indices = #map}, {transform_indices = #map1}, {transform_indices = #map1}, {transform_indices = #map2}]} {
    %mul3A = arith.constant 2 : i32
    %mul3A_0 = arith.muli %arg1, %mul3A : i32
    %add3A = arith.addi %mul3A_0, %arg0 : i32
    %mul3A_1 = arith.constant 128 : i32
    %mul3A_2 = arith.muli %add3A, %mul3A_1 : i32
    "tpu.region"() ({
      %run_scoped3A = tpu.sem_alloc : memref<!tpu.dma_semaphore, #tpu.memory_space<semaphore_mem>>
      %dma_start3A = arith.constant 0 : i32
      %dma_start3A_81 = tpu.memref_slice %arg2[%mul3A_2, %dma_start3A] : memref<4096x32xf32, #tpu.memory_space<hbm>> -> memref<128x32xf32, #tpu.memory_space<hbm>>
      %dma_start3A_82 = arith.constant 0 : i32
      %dma_start3A_83 = tpu.memref_slice %arg2[%mul3A_2, %dma_start3A_82] : memref<4096x32xf32, #tpu.memory_space<hbm>> -> memref<128x32xf32, #tpu.memory_space<hbm>>
      tpu.enqueue_dma source(%dma_start3A_83 : memref<128x32xf32, #tpu.memory_space<hbm>>) target(%arg6 : memref<128x32xf32, #tpu.memory_space<vmem>>) target_semaphore(%run_scoped3A : memref<!tpu.dma_semaphore, #tpu.memory_space<semaphore_mem>>)
      %dma_wait3A = arith.constant 0 : i32
      %dma_wait3A_84 = tpu.memref_slice %arg2[%mul3A_2, %dma_wait3A] : memref<4096x32xf32, #tpu.memory_space<hbm>> -> memref<128x32xf32, #tpu.memory_space<hbm>>
      %dma_wait3A_85 = arith.constant 0 : i32
      %dma_wait3A_86 = tpu.memref_slice %arg2[%mul3A_2, %dma_wait3A_85] : memref<4096x32xf32, #tpu.memory_space<hbm>> -> memref<128x32xf32, #tpu.memory_space<hbm>>
      tpu.wait_dma2 semaphore(%run_scoped3A : memref<!tpu.dma_semaphore, #tpu.memory_space<semaphore_mem>>) src(%dma_wait3A_86 : memref<128x32xf32, #tpu.memory_space<hbm>>) dst(%arg6 : memref<128x32xf32, #tpu.memory_space<vmem>>)
      tpu.yield
    }) : () -> ()
    "tpu.region"() ({
      %run_scoped3A = tpu.sem_alloc : memref<!tpu.dma_semaphore, #tpu.memory_space<semaphore_mem>>
      %dma_start3A = tpu.memref_slice %arg3[%mul3A_2] : memref<4096xi32, #tpu.memory_space<hbm>> -> memref<128xi32, #tpu.memory_space<hbm>>
      %dma_start3A_81 = tpu.memref_slice %arg3[%mul3A_2] : memref<4096xi32, #tpu.memory_space<hbm>> -> memref<128xi32, #tpu.memory_space<hbm>>
      tpu.enqueue_dma source(%dma_start3A_81 : memref<128xi32, #tpu.memory_space<hbm>>) target(%arg7 : memref<128xi32, #tpu.memory_space<vmem>>) target_semaphore(%run_scoped3A : memref<!tpu.dma_semaphore, #tpu.memory_space<semaphore_mem>>)
      %dma_wait3A = tpu.memref_slice %arg3[%mul3A_2] : memref<4096xi32, #tpu.memory_space<hbm>> -> memref<128xi32, #tpu.memory_space<hbm>>
      %dma_wait3A_82 = tpu.memref_slice %arg3[%mul3A_2] : memref<4096xi32, #tpu.memory_space<hbm>> -> memref<128xi32, #tpu.memory_space<hbm>>
      tpu.wait_dma2 semaphore(%run_scoped3A : memref<!tpu.dma_semaphore, #tpu.memory_space<semaphore_mem>>) src(%dma_wait3A_82 : memref<128xi32, #tpu.memory_space<hbm>>) dst(%arg7 : memref<128xi32, #tpu.memory_space<vmem>>)
      tpu.yield
    }) : () -> ()
    "tpu.region"() ({
      %run_scoped3A = tpu.sem_alloc : memref<!tpu.dma_semaphore, #tpu.memory_space<semaphore_mem>>
      %dma_start3A = tpu.memref_slice %arg4[%mul3A_2] : memref<4096xi32, #tpu.memory_space<hbm>> -> memref<128xi32, #tpu.memory_space<hbm>>
      %dma_start3A_81 = tpu.memref_slice %arg4[%mul3A_2] : memref<4096xi32, #tpu.memory_space<hbm>> -> memref<128xi32, #tpu.memory_space<hbm>>
      tpu.enqueue_dma source(%dma_start3A_81 : memref<128xi32, #tpu.memory_space<hbm>>) target(%arg8 : memref<128xi32, #tpu.memory_space<vmem>>) target_semaphore(%run_scoped3A : memref<!tpu.dma_semaphore, #tpu.memory_space<semaphore_mem>>)
      %dma_wait3A = tpu.memref_slice %arg4[%mul3A_2] : memref<4096xi32, #tpu.memory_space<hbm>> -> memref<128xi32, #tpu.memory_space<hbm>>
      %dma_wait3A_82 = tpu.memref_slice %arg4[%mul3A_2] : memref<4096xi32, #tpu.memory_space<hbm>> -> memref<128xi32, #tpu.memory_space<hbm>>
      tpu.wait_dma2 semaphore(%run_scoped3A : memref<!tpu.dma_semaphore, #tpu.memory_space<semaphore_mem>>) src(%dma_wait3A_82 : memref<128xi32, #tpu.memory_space<hbm>>) dst(%arg8 : memref<128xi32, #tpu.memory_space<vmem>>)
      tpu.yield
    }) : () -> ()
    %iota3A = tpu.iota {dimensions = array<i32: 0>} : vector<16xi32>
    %add3A_3 = arith.constant 16 : i32
    %add3A_4 = vector.broadcast %add3A_3 : i32 to vector<16xi32>
    %add3A_5 = arith.addi %iota3A, %add3A_4 : vector<16xi32>
    %broadcast_in_dim3A = arith.constant 0.000000e+00 : f32
    %broadcast_in_dim3A_6 = vector.broadcast %broadcast_in_dim3A : f32 to vector<16xf32>
    %broadcast_in_dim3A_7 = arith.constant 0xFF800000 : f32
    %broadcast_in_dim3A_8 = vector.broadcast %broadcast_in_dim3A_7 : f32 to vector<16xf32>
    %broadcast_in_dim3A_9 = arith.constant 1.000000e+00 : f32
    %broadcast_in_dim3A_10 = vector.broadcast %broadcast_in_dim3A_9 : f32 to vector<16xf32>
    %scan3A = arith.constant 0 : i32
    %scan3A_11 = arith.constant 8 : i32
    %scan3A_12 = arith.addi %scan3A, %scan3A_11 : i32
    %scan3A_13 = arith.constant 1 : i32
    %scan3A_14:8 = scf.for %scan3A_81 = %scan3A to %scan3A_12 step %scan3A_13 iter_args(%scan3A_82 = %broadcast_in_dim3A_8, %scan3A_83 = %broadcast_in_dim3A_8, %scan3A_84 = %broadcast_in_dim3A_6, %scan3A_85 = %broadcast_in_dim3A_6, %scan3A_86 = %broadcast_in_dim3A_6, %scan3A_87 = %broadcast_in_dim3A_6, %scan3A_88 = %broadcast_in_dim3A_6, %scan3A_89 = %broadcast_in_dim3A_6) -> (vector<16xf32>, vector<16xf32>, vector<16xf32>, vector<16xf32>, vector<16xf32>, vector<16xf32>, vector<16xf32>, vector<16xf32>)  : i32 {
      %mul3A_90 = arith.constant 16 : i32
      %mul3A_91 = arith.muli %scan3A_81, %mul3A_90 : i32
      %get3A = arith.index_cast %mul3A_91 : i32 to index
      %get3A_92 = tpu.vector_load %arg7[%get3A] {strides = array<i32>} : memref<128xi32, #tpu.memory_space<vmem>>, vector<16xi32>,
      %get3A_93 = vector.shape_cast %get3A_92 : vector<16xi32> to vector<16xi32>
      %get3A_94 = arith.index_cast %mul3A_91 : i32 to index
      %get3A_95 = tpu.vector_load %arg8[%get3A_94] {strides = array<i32>} : memref<128xi32, #tpu.memory_space<vmem>>, vector<16xi32>,
      %get3A_96 = vector.shape_cast %get3A_95 : vector<16xi32> to vector<16xi32>
      %slice3A = vector.extract_strided_slice %get3A_93 {offsets = [0], sizes = [1], strides = [1]} : vector<16xi32> to vector<1xi32>
      %squeeze3A = vector.extract %slice3A[0] : i32 from vector<1xi32>
      %slice3A_97 = vector.extract_strided_slice %get3A_96 {offsets = [0], sizes = [1], strides = [1]} : vector<16xi32> to vector<1xi32>
      %squeeze3A_98 = vector.extract %slice3A_97[0] : i32 from vector<1xi32>
      %eq3A = arith.constant 1 : i32
      %eq3A_99 = arith.cmpi eq, %squeeze3A_98, %eq3A : i32
      %jit3A = arith.constant 32 : i32
      %select_n3A = arith.select %eq3A_99, %jit3A, %squeeze3A : i32
      %jit3A_100 = arith.constant -1 : i32
      %select_n3A_101 = arith.select %eq3A_99, %squeeze3A, %jit3A_100 : i32
      %add3A_102 = arith.constant 0 : i32
      %add3A_103 = arith.addi %mul3A_91, %add3A_102 : i32
      %get3A_104 = arith.index_cast %add3A_103 : i32 to index
      %get3A_105 = arith.constant 0 : index
      %get3A_106 = tpu.vector_load %arg6[%get3A_104, %get3A_105] {strides = array<i32>} : memref<128x32xf32, #tpu.memory_space<vmem>>, vector<1x16xf32>,
      %get3A_107 = vector.shape_cast %get3A_106 : vector<1x16xf32> to vector<16xf32>
      %add3A_108 = arith.constant 0 : i32
      %add3A_109 = arith.addi %mul3A_91, %add3A_108 : i32
      %get3A_110 = arith.index_cast %add3A_109 : i32 to index
      %get3A_111 = arith.constant 16 : index
      %get3A_112 = tpu.vector_load %arg6[%get3A_110, %get3A_111] {strides = array<i32>} : memref<128x32xf32, #tpu.memory_space<vmem>>, vector<1x16xf32>,
      %get3A_113 = vector.shape_cast %get3A_112 : vector<1x16xf32> to vector<16xf32>
      %lt3A = vector.broadcast %select_n3A : i32 to vector<16xi32>
      %lt3A_114 = arith.cmpi slt, %iota3A, %lt3A : vector<16xi32>
      %lt3A_115 = vector.broadcast %select_n3A : i32 to vector<16xi32>
      %lt3A_116 = arith.cmpi slt, %add3A_5, %lt3A_115 : vector<16xi32>
      %eq3A_117 = vector.broadcast %select_n3A_101 : i32 to vector<16xi32>
      %eq3A_118 = arith.cmpi eq, %iota3A, %eq3A_117 : vector<16xi32>
      %eq3A_119 = vector.broadcast %select_n3A_101 : i32 to vector<16xi32>
      %eq3A_120 = arith.cmpi eq, %add3A_5, %eq3A_119 : vector<16xi32>
      %select_n3A_121 = arith.select %lt3A_114, %get3A_107, %broadcast_in_dim3A_8 : vector<16xi1>, vector<16xf32>
      %max3A = arith.maximumf %scan3A_82, %select_n3A_121 : vector<16xf32>
      %select_n3A_122 = arith.select %lt3A_116, %get3A_113, %broadcast_in_dim3A_8 : vector<16xi1>, vector<16xf32>
      %max3A_123 = arith.maximumf %scan3A_83, %select_n3A_122 : vector<16xf32>
      %select_n3A_124 = arith.select %eq3A_118, %get3A_107, %broadcast_in_dim3A_6 : vector<16xi1>, vector<16xf32>
      %add3A_125 = arith.addf %scan3A_84, %select_n3A_124 : vector<16xf32>
      %select_n3A_126 = arith.select %eq3A_120, %get3A_113, %broadcast_in_dim3A_6 : vector<16xi1>, vector<16xf32>
      %add3A_127 = arith.addf %scan3A_85, %select_n3A_126 : vector<16xf32>
      %select_n3A_128 = arith.select %eq3A_118, %broadcast_in_dim3A_10, %broadcast_in_dim3A_6 : vector<16xi1>, vector<16xf32>
      %add3A_129 = arith.addf %scan3A_86, %select_n3A_128 : vector<16xf32>
      %select_n3A_130 = arith.select %eq3A_120, %broadcast_in_dim3A_10, %broadcast_in_dim3A_6 : vector<16xi1>, vector<16xf32>
      %add3A_131 = arith.addf %scan3A_87, %select_n3A_130 : vector<16xf32>
      %select_n3A_132 = arith.select %lt3A_114, %broadcast_in_dim3A_10, %broadcast_in_dim3A_6 : vector<16xi1>, vector<16xf32>
      %add3A_133 = arith.addf %scan3A_88, %select_n3A_132 : vector<16xf32>
      %select_n3A_134 = arith.select %lt3A_116, %broadcast_in_dim3A_10, %broadcast_in_dim3A_6 : vector<16xi1>, vector<16xf32>
      %add3A_135 = arith.addf %scan3A_89, %select_n3A_134 : vector<16xf32>
      %slice3A_136 = vector.extract_strided_slice %get3A_93 {offsets = [1], sizes = [1], strides = [1]} : vector<16xi32> to vector<1xi32>
      %squeeze3A_137 = vector.extract %slice3A_136[0] : i32 from vector<1xi32>
      %slice3A_138 = vector.extract_strided_slice %get3A_96 {offsets = [1], sizes = [1], strides = [1]} : vector<16xi32> to vector<1xi32>
      %squeeze3A_139 = vector.extract %slice3A_138[0] : i32 from vector<1xi32>
      %eq3A_140 = arith.constant 1 : i32
      %eq3A_141 = arith.cmpi eq, %squeeze3A_139, %eq3A_140 : i32
      %jit3A_142 = arith.constant 32 : i32
      %select_n3A_143 = arith.select %eq3A_141, %jit3A_142, %squeeze3A_137 : i32
      %jit3A_144 = arith.constant -1 : i32
      %select_n3A_145 = arith.select %eq3A_141, %squeeze3A_137, %jit3A_144 : i32
      %add3A_146 = arith.constant 1 : i32
      %add3A_147 = arith.addi %mul3A_91, %add3A_146 : i32
      %get3A_148 = arith.index_cast %add3A_147 : i32 to index
      %get3A_149 = arith.constant 0 : index
      %get3A_150 = tpu.vector_load %arg6[%get3A_148, %get3A_149] {strides = array<i32>} : memref<128x32xf32, #tpu.memory_space<vmem>>, vector<1x16xf32>,
      %get3A_151 = vector.shape_cast %get3A_150 : vector<1x16xf32> to vector<16xf32>
      %add3A_152 = arith.constant 1 : i32
      %add3A_153 = arith.addi %mul3A_91, %add3A_152 : i32
      %get3A_154 = arith.index_cast %add3A_153 : i32 to index
      %get3A_155 = arith.constant 16 : index
      %get3A_156 = tpu.vector_load %arg6[%get3A_154, %get3A_155] {strides = array<i32>} : memref<128x32xf32, #tpu.memory_space<vmem>>, vector<1x16xf32>,
      %get3A_157 = vector.shape_cast %get3A_156 : vector<1x16xf32> to vector<16xf32>
      %lt3A_158 = vector.broadcast %select_n3A_143 : i32 to vector<16xi32>
      %lt3A_159 = arith.cmpi slt, %iota3A, %lt3A_158 : vector<16xi32>
      %lt3A_160 = vector.broadcast %select_n3A_143 : i32 to vector<16xi32>
      %lt3A_161 = arith.cmpi slt, %add3A_5, %lt3A_160 : vector<16xi32>
      %eq3A_162 = vector.broadcast %select_n3A_145 : i32 to vector<16xi32>
      %eq3A_163 = arith.cmpi eq, %iota3A, %eq3A_162 : vector<16xi32>
      %eq3A_164 = vector.broadcast %select_n3A_145 : i32 to vector<16xi32>
      %eq3A_165 = arith.cmpi eq, %add3A_5, %eq3A_164 : vector<16xi32>
      %select_n3A_166 = arith.select %lt3A_159, %get3A_151, %broadcast_in_dim3A_8 : vector<16xi1>, vector<16xf32>
      %max3A_167 = arith.maximumf %max3A, %select_n3A_166 : vector<16xf32>
      %select_n3A_168 = arith.select %lt3A_161, %get3A_157, %broadcast_in_dim3A_8 : vector<16xi1>, vector<16xf32>
      %max3A_169 = arith.maximumf %max3A_123, %select_n3A_168 : vector<16xf32>
      %select_n3A_170 = arith.select %eq3A_163, %get3A_151, %broadcast_in_dim3A_6 : vector<16xi1>, vector<16xf32>
      %add3A_171 = arith.addf %add3A_125, %select_n3A_170 : vector<16xf32>
      %select_n3A_172 = arith.select %eq3A_165, %get3A_157, %broadcast_in_dim3A_6 : vector<16xi1>, vector<16xf32>
      %add3A_173 = arith.addf %add3A_127, %select_n3A_172 : vector<16xf32>
      %select_n3A_174 = arith.select %eq3A_163, %broadcast_in_dim3A_10, %broadcast_in_dim3A_6 : vector<16xi1>, vector<16xf32>
      %add3A_175 = arith.addf %add3A_129, %select_n3A_174 : vector<16xf32>
      %select_n3A_176 = arith.select %eq3A_165, %broadcast_in_dim3A_10, %broadcast_in_dim3A_6 : vector<16xi1>, vector<16xf32>
      %add3A_177 = arith.addf %add3A_131, %select_n3A_176 : vector<16xf32>
      %select_n3A_178 = arith.select %lt3A_159, %broadcast_in_dim3A_10, %broadcast_in_dim3A_6 : vector<16xi1>, vector<16xf32>
      %add3A_179 = arith.addf %add3A_133, %select_n3A_178 : vector<16xf32>
      %select_n3A_180 = arith.select %lt3A_161, %broadcast_in_dim3A_10, %broadcast_in_dim3A_6 : vector<16xi1>, vector<16xf32>
      %add3A_181 = arith.addf %add3A_135, %select_n3A_180 : vector<16xf32>
      %slice3A_182 = vector.extract_strided_slice %get3A_93 {offsets = [2], sizes = [1], strides = [1]} : vector<16xi32> to vector<1xi32>
      %squeeze3A_183 = vector.extract %slice3A_182[0] : i32 from vector<1xi32>
      %slice3A_184 = vector.extract_strided_slice %get3A_96 {offsets = [2], sizes = [1], strides = [1]} : vector<16xi32> to vector<1xi32>
      %squeeze3A_185 = vector.extract %slice3A_184[0] : i32 from vector<1xi32>
      %eq3A_186 = arith.constant 1 : i32
      %eq3A_187 = arith.cmpi eq, %squeeze3A_185, %eq3A_186 : i32
      %jit3A_188 = arith.constant 32 : i32
      %select_n3A_189 = arith.select %eq3A_187, %jit3A_188, %squeeze3A_183 : i32
      %jit3A_190 = arith.constant -1 : i32
      %select_n3A_191 = arith.select %eq3A_187, %squeeze3A_183, %jit3A_190 : i32
      %add3A_192 = arith.constant 2 : i32
      %add3A_193 = arith.addi %mul3A_91, %add3A_192 : i32
      %get3A_194 = arith.index_cast %add3A_193 : i32 to index
      %get3A_195 = arith.constant 0 : index
      %get3A_196 = tpu.vector_load %arg6[%get3A_194, %get3A_195] {strides = array<i32>} : memref<128x32xf32, #tpu.memory_space<vmem>>, vector<1x16xf32>,
      %get3A_197 = vector.shape_cast %get3A_196 : vector<1x16xf32> to vector<16xf32>
      %add3A_198 = arith.constant 2 : i32
      %add3A_199 = arith.addi %mul3A_91, %add3A_198 : i32
      %get3A_200 = arith.index_cast %add3A_199 : i32 to index
      %get3A_201 = arith.constant 16 : index
      %get3A_202 = tpu.vector_load %arg6[%get3A_200, %get3A_201] {strides = array<i32>} : memref<128x32xf32, #tpu.memory_space<vmem>>, vector<1x16xf32>,
      %get3A_203 = vector.shape_cast %get3A_202 : vector<1x16xf32> to vector<16xf32>
      %lt3A_204 = vector.broadcast %select_n3A_189 : i32 to vector<16xi32>
      %lt3A_205 = arith.cmpi slt, %iota3A, %lt3A_204 : vector<16xi32>
      %lt3A_206 = vector.broadcast %select_n3A_189 : i32 to vector<16xi32>
      %lt3A_207 = arith.cmpi slt, %add3A_5, %lt3A_206 : vector<16xi32>
      %eq3A_208 = vector.broadcast %select_n3A_191 : i32 to vector<16xi32>
      %eq3A_209 = arith.cmpi eq, %iota3A, %eq3A_208 : vector<16xi32>
      %eq3A_210 = vector.broadcast %select_n3A_191 : i32 to vector<16xi32>
      %eq3A_211 = arith.cmpi eq, %add3A_5, %eq3A_210 : vector<16xi32>
      %select_n3A_212 = arith.select %lt3A_205, %get3A_197, %broadcast_in_dim3A_8 : vector<16xi1>, vector<16xf32>
      %max3A_213 = arith.maximumf %max3A_167, %select_n3A_212 : vector<16xf32>
      %select_n3A_214 = arith.select %lt3A_207, %get3A_203, %broadcast_in_dim3A_8 : vector<16xi1>, vector<16xf32>
      %max3A_215 = arith.maximumf %max3A_169, %select_n3A_214 : vector<16xf32>
      %select_n3A_216 = arith.select %eq3A_209, %get3A_197, %broadcast_in_dim3A_6 : vector<16xi1>, vector<16xf32>
      %add3A_217 = arith.addf %add3A_171, %select_n3A_216 : vector<16xf32>
      %select_n3A_218 = arith.select %eq3A_211, %get3A_203, %broadcast_in_dim3A_6 : vector<16xi1>, vector<16xf32>
      %add3A_219 = arith.addf %add3A_173, %select_n3A_218 : vector<16xf32>
      %select_n3A_220 = arith.select %eq3A_209, %broadcast_in_dim3A_10, %broadcast_in_dim3A_6 : vector<16xi1>, vector<16xf32>
      %add3A_221 = arith.addf %add3A_175, %select_n3A_220 : vector<16xf32>
      %select_n3A_222 = arith.select %eq3A_211, %broadcast_in_dim3A_10, %broadcast_in_dim3A_6 : vector<16xi1>, vector<16xf32>
      %add3A_223 = arith.addf %add3A_177, %select_n3A_222 : vector<16xf32>
      %select_n3A_224 = arith.select %lt3A_205, %broadcast_in_dim3A_10, %broadcast_in_dim3A_6 : vector<16xi1>, vector<16xf32>
      %add3A_225 = arith.addf %add3A_179, %select_n3A_224 : vector<16xf32>
      %select_n3A_226 = arith.select %lt3A_207, %broadcast_in_dim3A_10, %broadcast_in_dim3A_6 : vector<16xi1>, vector<16xf32>
      %add3A_227 = arith.addf %add3A_181, %select_n3A_226 : vector<16xf32>
      %slice3A_228 = vector.extract_strided_slice %get3A_93 {offsets = [3], sizes = [1], strides = [1]} : vector<16xi32> to vector<1xi32>
      %squeeze3A_229 = vector.extract %slice3A_228[0] : i32 from vector<1xi32>
      %slice3A_230 = vector.extract_strided_slice %get3A_96 {offsets = [3], sizes = [1], strides = [1]} : vector<16xi32> to vector<1xi32>
      %squeeze3A_231 = vector.extract %slice3A_230[0] : i32 from vector<1xi32>
      %eq3A_232 = arith.constant 1 : i32
      %eq3A_233 = arith.cmpi eq, %squeeze3A_231, %eq3A_232 : i32
      %jit3A_234 = arith.constant 32 : i32
      %select_n3A_235 = arith.select %eq3A_233, %jit3A_234, %squeeze3A_229 : i32
      %jit3A_236 = arith.constant -1 : i32
      %select_n3A_237 = arith.select %eq3A_233, %squeeze3A_229, %jit3A_236 : i32
      %add3A_238 = arith.constant 3 : i32
      %add3A_239 = arith.addi %mul3A_91, %add3A_238 : i32
      %get3A_240 = arith.index_cast %add3A_239 : i32 to index
      %get3A_241 = arith.constant 0 : index
      %get3A_242 = tpu.vector_load %arg6[%get3A_240, %get3A_241] {strides = array<i32>} : memref<128x32xf32, #tpu.memory_space<vmem>>, vector<1x16xf32>,
      %get3A_243 = vector.shape_cast %get3A_242 : vector<1x16xf32> to vector<16xf32>
      %add3A_244 = arith.constant 3 : i32
      %add3A_245 = arith.addi %mul3A_91, %add3A_244 : i32
      %get3A_246 = arith.index_cast %add3A_245 : i32 to index
      %get3A_247 = arith.constant 16 : index
      %get3A_248 = tpu.vector_load %arg6[%get3A_246, %get3A_247] {strides = array<i32>} : memref<128x32xf32, #tpu.memory_space<vmem>>, vector<1x16xf32>,
      %get3A_249 = vector.shape_cast %get3A_248 : vector<1x16xf32> to vector<16xf32>
      %lt3A_250 = vector.broadcast %select_n3A_235 : i32 to vector<16xi32>
      %lt3A_251 = arith.cmpi slt, %iota3A, %lt3A_250 : vector<16xi32>
      %lt3A_252 = vector.broadcast %select_n3A_235 : i32 to vector<16xi32>
      %lt3A_253 = arith.cmpi slt, %add3A_5, %lt3A_252 : vector<16xi32>
      %eq3A_254 = vector.broadcast %select_n3A_237 : i32 to vector<16xi32>
      %eq3A_255 = arith.cmpi eq, %iota3A, %eq3A_254 : vector<16xi32>
      %eq3A_256 = vector.broadcast %select_n3A_237 : i32 to vector<16xi32>
      %eq3A_257 = arith.cmpi eq, %add3A_5, %eq3A_256 : vector<16xi32>
      %select_n3A_258 = arith.select %lt3A_251, %get3A_243, %broadcast_in_dim3A_8 : vector<16xi1>, vector<16xf32>
      %max3A_259 = arith.maximumf %max3A_213, %select_n3A_258 : vector<16xf32>
      %select_n3A_260 = arith.select %lt3A_253, %get3A_249, %broadcast_in_dim3A_8 : vector<16xi1>, vector<16xf32>
      %max3A_261 = arith.maximumf %max3A_215, %select_n3A_260 : vector<16xf32>
      %select_n3A_262 = arith.select %eq3A_255, %get3A_243, %broadcast_in_dim3A_6 : vector<16xi1>, vector<16xf32>
      %add3A_263 = arith.addf %add3A_217, %select_n3A_262 : vector<16xf32>
      %select_n3A_264 = arith.select %eq3A_257, %get3A_249, %broadcast_in_dim3A_6 : vector<16xi1>, vector<16xf32>
      %add3A_265 = arith.addf %add3A_219, %select_n3A_264 : vector<16xf32>
      %select_n3A_266 = arith.select %eq3A_255, %broadcast_in_dim3A_10, %broadcast_in_dim3A_6 : vector<16xi1>, vector<16xf32>
      %add3A_267 = arith.addf %add3A_221, %select_n3A_266 : vector<16xf32>
      %select_n3A_268 = arith.select %eq3A_257, %broadcast_in_dim3A_10, %broadcast_in_dim3A_6 : vector<16xi1>, vector<16xf32>
      %add3A_269 = arith.addf %add3A_223, %select_n3A_268 : vector<16xf32>
      %select_n3A_270 = arith.select %lt3A_251, %broadcast_in_dim3A_10, %broadcast_in_dim3A_6 : vector<16xi1>, vector<16xf32>
      %add3A_271 = arith.addf %add3A_225, %select_n3A_270 : vector<16xf32>
      %select_n3A_272 = arith.select %lt3A_253, %broadcast_in_dim3A_10, %broadcast_in_dim3A_6 : vector<16xi1>, vector<16xf32>
      %add3A_273 = arith.addf %add3A_227, %select_n3A_272 : vector<16xf32>
      %slice3A_274 = vector.extract_strided_slice %get3A_93 {offsets = [4], sizes = [1], strides = [1]} : vector<16xi32> to vector<1xi32>
      %squeeze3A_275 = vector.extract %slice3A_274[0] : i32 from vector<1xi32>
      %slice3A_276 = vector.extract_strided_slice %get3A_96 {offsets = [4], sizes = [1], strides = [1]} : vector<16xi32> to vector<1xi32>
      %squeeze3A_277 = vector.extract %slice3A_276[0] : i32 from vector<1xi32>
      %eq3A_278 = arith.constant 1 : i32
      %eq3A_279 = arith.cmpi eq, %squeeze3A_277, %eq3A_278 : i32
      %jit3A_280 = arith.constant 32 : i32
      %select_n3A_281 = arith.select %eq3A_279, %jit3A_280, %squeeze3A_275 : i32
      %jit3A_282 = arith.constant -1 : i32
      %select_n3A_283 = arith.select %eq3A_279, %squeeze3A_275, %jit3A_282 : i32
      %add3A_284 = arith.constant 4 : i32
      %add3A_285 = arith.addi %mul3A_91, %add3A_284 : i32
      %get3A_286 = arith.index_cast %add3A_285 : i32 to index
      %get3A_287 = arith.constant 0 : index
      %get3A_288 = tpu.vector_load %arg6[%get3A_286, %get3A_287] {strides = array<i32>} : memref<128x32xf32, #tpu.memory_space<vmem>>, vector<1x16xf32>,
      %get3A_289 = vector.shape_cast %get3A_288 : vector<1x16xf32> to vector<16xf32>
      %add3A_290 = arith.constant 4 : i32
      %add3A_291 = arith.addi %mul3A_91, %add3A_290 : i32
      %get3A_292 = arith.index_cast %add3A_291 : i32 to index
      %get3A_293 = arith.constant 16 : index
      %get3A_294 = tpu.vector_load %arg6[%get3A_292, %get3A_293] {strides = array<i32>} : memref<128x32xf32, #tpu.memory_space<vmem>>, vector<1x16xf32>,
      %get3A_295 = vector.shape_cast %get3A_294 : vector<1x16xf32> to vector<16xf32>
      %lt3A_296 = vector.broadcast %select_n3A_281 : i32 to vector<16xi32>
      %lt3A_297 = arith.cmpi slt, %iota3A, %lt3A_296 : vector<16xi32>
      %lt3A_298 = vector.broadcast %select_n3A_281 : i32 to vector<16xi32>
      %lt3A_299 = arith.cmpi slt, %add3A_5, %lt3A_298 : vector<16xi32>
      %eq3A_300 = vector.broadcast %select_n3A_283 : i32 to vector<16xi32>
      %eq3A_301 = arith.cmpi eq, %iota3A, %eq3A_300 : vector<16xi32>
      %eq3A_302 = vector.broadcast %select_n3A_283 : i32 to vector<16xi32>
      %eq3A_303 = arith.cmpi eq, %add3A_5, %eq3A_302 : vector<16xi32>
      %select_n3A_304 = arith.select %lt3A_297, %get3A_289, %broadcast_in_dim3A_8 : vector<16xi1>, vector<16xf32>
      %max3A_305 = arith.maximumf %max3A_259, %select_n3A_304 : vector<16xf32>
      %select_n3A_306 = arith.select %lt3A_299, %get3A_295, %broadcast_in_dim3A_8 : vector<16xi1>, vector<16xf32>
      %max3A_307 = arith.maximumf %max3A_261, %select_n3A_306 : vector<16xf32>
      %select_n3A_308 = arith.select %eq3A_301, %get3A_289, %broadcast_in_dim3A_6 : vector<16xi1>, vector<16xf32>
      %add3A_309 = arith.addf %add3A_263, %select_n3A_308 : vector<16xf32>
      %select_n3A_310 = arith.select %eq3A_303, %get3A_295, %broadcast_in_dim3A_6 : vector<16xi1>, vector<16xf32>
      %add3A_311 = arith.addf %add3A_265, %select_n3A_310 : vector<16xf32>
      %select_n3A_312 = arith.select %eq3A_301, %broadcast_in_dim3A_10, %broadcast_in_dim3A_6 : vector<16xi1>, vector<16xf32>
      %add3A_313 = arith.addf %add3A_267, %select_n3A_312 : vector<16xf32>
      %select_n3A_314 = arith.select %eq3A_303, %broadcast_in_dim3A_10, %broadcast_in_dim3A_6 : vector<16xi1>, vector<16xf32>
      %add3A_315 = arith.addf %add3A_269, %select_n3A_314 : vector<16xf32>
      %select_n3A_316 = arith.select %lt3A_297, %broadcast_in_dim3A_10, %broadcast_in_dim3A_6 : vector<16xi1>, vector<16xf32>
      %add3A_317 = arith.addf %add3A_271, %select_n3A_316 : vector<16xf32>
      %select_n3A_318 = arith.select %lt3A_299, %broadcast_in_dim3A_10, %broadcast_in_dim3A_6 : vector<16xi1>, vector<16xf32>
      %add3A_319 = arith.addf %add3A_273, %select_n3A_318 : vector<16xf32>
      %slice3A_320 = vector.extract_strided_slice %get3A_93 {offsets = [5], sizes = [1], strides = [1]} : vector<16xi32> to vector<1xi32>
      %squeeze3A_321 = vector.extract %slice3A_320[0] : i32 from vector<1xi32>
      %slice3A_322 = vector.extract_strided_slice %get3A_96 {offsets = [5], sizes = [1], strides = [1]} : vector<16xi32> to vector<1xi32>
      %squeeze3A_323 = vector.extract %slice3A_322[0] : i32 from vector<1xi32>
      %eq3A_324 = arith.constant 1 : i32
      %eq3A_325 = arith.cmpi eq, %squeeze3A_323, %eq3A_324 : i32
      %jit3A_326 = arith.constant 32 : i32
      %select_n3A_327 = arith.select %eq3A_325, %jit3A_326, %squeeze3A_321 : i32
      %jit3A_328 = arith.constant -1 : i32
      %select_n3A_329 = arith.select %eq3A_325, %squeeze3A_321, %jit3A_328 : i32
      %add3A_330 = arith.constant 5 : i32
      %add3A_331 = arith.addi %mul3A_91, %add3A_330 : i32
      %get3A_332 = arith.index_cast %add3A_331 : i32 to index
      %get3A_333 = arith.constant 0 : index
      %get3A_334 = tpu.vector_load %arg6[%get3A_332, %get3A_333] {strides = array<i32>} : memref<128x32xf32, #tpu.memory_space<vmem>>, vector<1x16xf32>,
      %get3A_335 = vector.shape_cast %get3A_334 : vector<1x16xf32> to vector<16xf32>
      %add3A_336 = arith.constant 5 : i32
      %add3A_337 = arith.addi %mul3A_91, %add3A_336 : i32
      %get3A_338 = arith.index_cast %add3A_337 : i32 to index
      %get3A_339 = arith.constant 16 : index
      %get3A_340 = tpu.vector_load %arg6[%get3A_338, %get3A_339] {strides = array<i32>} : memref<128x32xf32, #tpu.memory_space<vmem>>, vector<1x16xf32>,
      %get3A_341 = vector.shape_cast %get3A_340 : vector<1x16xf32> to vector<16xf32>
      %lt3A_342 = vector.broadcast %select_n3A_327 : i32 to vector<16xi32>
      %lt3A_343 = arith.cmpi slt, %iota3A, %lt3A_342 : vector<16xi32>
      %lt3A_344 = vector.broadcast %select_n3A_327 : i32 to vector<16xi32>
      %lt3A_345 = arith.cmpi slt, %add3A_5, %lt3A_344 : vector<16xi32>
      %eq3A_346 = vector.broadcast %select_n3A_329 : i32 to vector<16xi32>
      %eq3A_347 = arith.cmpi eq, %iota3A, %eq3A_346 : vector<16xi32>
      %eq3A_348 = vector.broadcast %select_n3A_329 : i32 to vector<16xi32>
      %eq3A_349 = arith.cmpi eq, %add3A_5, %eq3A_348 : vector<16xi32>
      %select_n3A_350 = arith.select %lt3A_343, %get3A_335, %broadcast_in_dim3A_8 : vector<16xi1>, vector<16xf32>
      %max3A_351 = arith.maximumf %max3A_305, %select_n3A_350 : vector<16xf32>
      %select_n3A_352 = arith.select %lt3A_345, %get3A_341, %broadcast_in_dim3A_8 : vector<16xi1>, vector<16xf32>
      %max3A_353 = arith.maximumf %max3A_307, %select_n3A_352 : vector<16xf32>
      %select_n3A_354 = arith.select %eq3A_347, %get3A_335, %broadcast_in_dim3A_6 : vector<16xi1>, vector<16xf32>
      %add3A_355 = arith.addf %add3A_309, %select_n3A_354 : vector<16xf32>
      %select_n3A_356 = arith.select %eq3A_349, %get3A_341, %broadcast_in_dim3A_6 : vector<16xi1>, vector<16xf32>
      %add3A_357 = arith.addf %add3A_311, %select_n3A_356 : vector<16xf32>
      %select_n3A_358 = arith.select %eq3A_347, %broadcast_in_dim3A_10, %broadcast_in_dim3A_6 : vector<16xi1>, vector<16xf32>
      %add3A_359 = arith.addf %add3A_313, %select_n3A_358 : vector<16xf32>
      %select_n3A_360 = arith.select %eq3A_349, %broadcast_in_dim3A_10, %broadcast_in_dim3A_6 : vector<16xi1>, vector<16xf32>
      %add3A_361 = arith.addf %add3A_315, %select_n3A_360 : vector<16xf32>
      %select_n3A_362 = arith.select %lt3A_343, %broadcast_in_dim3A_10, %broadcast_in_dim3A_6 : vector<16xi1>, vector<16xf32>
      %add3A_363 = arith.addf %add3A_317, %select_n3A_362 : vector<16xf32>
      %select_n3A_364 = arith.select %lt3A_345, %broadcast_in_dim3A_10, %broadcast_in_dim3A_6 : vector<16xi1>, vector<16xf32>
      %add3A_365 = arith.addf %add3A_319, %select_n3A_364 : vector<16xf32>
      %slice3A_366 = vector.extract_strided_slice %get3A_93 {offsets = [6], sizes = [1], strides = [1]} : vector<16xi32> to vector<1xi32>
      %squeeze3A_367 = vector.extract %slice3A_366[0] : i32 from vector<1xi32>
      %slice3A_368 = vector.extract_strided_slice %get3A_96 {offsets = [6], sizes = [1], strides = [1]} : vector<16xi32> to vector<1xi32>
      %squeeze3A_369 = vector.extract %slice3A_368[0] : i32 from vector<1xi32>
      %eq3A_370 = arith.constant 1 : i32
      %eq3A_371 = arith.cmpi eq, %squeeze3A_369, %eq3A_370 : i32
      %jit3A_372 = arith.constant 32 : i32
      %select_n3A_373 = arith.select %eq3A_371, %jit3A_372, %squeeze3A_367 : i32
      %jit3A_374 = arith.constant -1 : i32
      %select_n3A_375 = arith.select %eq3A_371, %squeeze3A_367, %jit3A_374 : i32
      %add3A_376 = arith.constant 6 : i32
      %add3A_377 = arith.addi %mul3A_91, %add3A_376 : i32
      %get3A_378 = arith.index_cast %add3A_377 : i32 to index
      %get3A_379 = arith.constant 0 : index
      %get3A_380 = tpu.vector_load %arg6[%get3A_378, %get3A_379] {strides = array<i32>} : memref<128x32xf32, #tpu.memory_space<vmem>>, vector<1x16xf32>,
      %get3A_381 = vector.shape_cast %get3A_380 : vector<1x16xf32> to vector<16xf32>
      %add3A_382 = arith.constant 6 : i32
      %add3A_383 = arith.addi %mul3A_91, %add3A_382 : i32
      %get3A_384 = arith.index_cast %add3A_383 : i32 to index
      %get3A_385 = arith.constant 16 : index
      %get3A_386 = tpu.vector_load %arg6[%get3A_384, %get3A_385] {strides = array<i32>} : memref<128x32xf32, #tpu.memory_space<vmem>>, vector<1x16xf32>,
      %get3A_387 = vector.shape_cast %get3A_386 : vector<1x16xf32> to vector<16xf32>
      %lt3A_388 = vector.broadcast %select_n3A_373 : i32 to vector<16xi32>
      %lt3A_389 = arith.cmpi slt, %iota3A, %lt3A_388 : vector<16xi32>
      %lt3A_390 = vector.broadcast %select_n3A_373 : i32 to vector<16xi32>
      %lt3A_391 = arith.cmpi slt, %add3A_5, %lt3A_390 : vector<16xi32>
      %eq3A_392 = vector.broadcast %select_n3A_375 : i32 to vector<16xi32>
      %eq3A_393 = arith.cmpi eq, %iota3A, %eq3A_392 : vector<16xi32>
      %eq3A_394 = vector.broadcast %select_n3A_375 : i32 to vector<16xi32>
      %eq3A_395 = arith.cmpi eq, %add3A_5, %eq3A_394 : vector<16xi32>
      %select_n3A_396 = arith.select %lt3A_389, %get3A_381, %broadcast_in_dim3A_8 : vector<16xi1>, vector<16xf32>
      %max3A_397 = arith.maximumf %max3A_351, %select_n3A_396 : vector<16xf32>
      %select_n3A_398 = arith.select %lt3A_391, %get3A_387, %broadcast_in_dim3A_8 : vector<16xi1>, vector<16xf32>
      %max3A_399 = arith.maximumf %max3A_353, %select_n3A_398 : vector<16xf32>
      %select_n3A_400 = arith.select %eq3A_393, %get3A_381, %broadcast_in_dim3A_6 : vector<16xi1>, vector<16xf32>
      %add3A_401 = arith.addf %add3A_355, %select_n3A_400 : vector<16xf32>
      %select_n3A_402 = arith.select %eq3A_395, %get3A_387, %broadcast_in_dim3A_6 : vector<16xi1>, vector<16xf32>
      %add3A_403 = arith.addf %add3A_357, %select_n3A_402 : vector<16xf32>
      %select_n3A_404 = arith.select %eq3A_393, %broadcast_in_dim3A_10, %broadcast_in_dim3A_6 : vector<16xi1>, vector<16xf32>
      %add3A_405 = arith.addf %add3A_359, %select_n3A_404 : vector<16xf32>
      %select_n3A_406 = arith.select %eq3A_395, %broadcast_in_dim3A_10, %broadcast_in_dim3A_6 : vector<16xi1>, vector<16xf32>
      %add3A_407 = arith.addf %add3A_361, %select_n3A_406 : vector<16xf32>
      %select_n3A_408 = arith.select %lt3A_389, %broadcast_in_dim3A_10, %broadcast_in_dim3A_6 : vector<16xi1>, vector<16xf32>
      %add3A_409 = arith.addf %add3A_363, %select_n3A_408 : vector<16xf32>
      %select_n3A_410 = arith.select %lt3A_391, %broadcast_in_dim3A_10, %broadcast_in_dim3A_6 : vector<16xi1>, vector<16xf32>
      %add3A_411 = arith.addf %add3A_365, %select_n3A_410 : vector<16xf32>
      %slice3A_412 = vector.extract_strided_slice %get3A_93 {offsets = [7], sizes = [1], strides = [1]} : vector<16xi32> to vector<1xi32>
      %squeeze3A_413 = vector.extract %slice3A_412[0] : i32 from vector<1xi32>
      %slice3A_414 = vector.extract_strided_slice %get3A_96 {offsets = [7], sizes = [1], strides = [1]} : vector<16xi32> to vector<1xi32>
      %squeeze3A_415 = vector.extract %slice3A_414[0] : i32 from vector<1xi32>
      %eq3A_416 = arith.constant 1 : i32
      %eq3A_417 = arith.cmpi eq, %squeeze3A_415, %eq3A_416 : i32
      %jit3A_418 = arith.constant 32 : i32
      %select_n3A_419 = arith.select %eq3A_417, %jit3A_418, %squeeze3A_413 : i32
      %jit3A_420 = arith.constant -1 : i32
      %select_n3A_421 = arith.select %eq3A_417, %squeeze3A_413, %jit3A_420 : i32
      %add3A_422 = arith.constant 7 : i32
      %add3A_423 = arith.addi %mul3A_91, %add3A_422 : i32
      %get3A_424 = arith.index_cast %add3A_423 : i32 to index
      %get3A_425 = arith.constant 0 : index
      %get3A_426 = tpu.vector_load %arg6[%get3A_424, %get3A_425] {strides = array<i32>} : memref<128x32xf32, #tpu.memory_space<vmem>>, vector<1x16xf32>,
      %get3A_427 = vector.shape_cast %get3A_426 : vector<1x16xf32> to vector<16xf32>
      %add3A_428 = arith.constant 7 : i32
      %add3A_429 = arith.addi %mul3A_91, %add3A_428 : i32
      %get3A_430 = arith.index_cast %add3A_429 : i32 to index
      %get3A_431 = arith.constant 16 : index
      %get3A_432 = tpu.vector_load %arg6[%get3A_430, %get3A_431] {strides = array<i32>} : memref<128x32xf32, #tpu.memory_space<vmem>>, vector<1x16xf32>,
      %get3A_433 = vector.shape_cast %get3A_432 : vector<1x16xf32> to vector<16xf32>
      %lt3A_434 = vector.broadcast %select_n3A_419 : i32 to vector<16xi32>
      %lt3A_435 = arith.cmpi slt, %iota3A, %lt3A_434 : vector<16xi32>
      %lt3A_436 = vector.broadcast %select_n3A_419 : i32 to vector<16xi32>
      %lt3A_437 = arith.cmpi slt, %add3A_5, %lt3A_436 : vector<16xi32>
      %eq3A_438 = vector.broadcast %select_n3A_421 : i32 to vector<16xi32>
      %eq3A_439 = arith.cmpi eq, %iota3A, %eq3A_438 : vector<16xi32>
      %eq3A_440 = vector.broadcast %select_n3A_421 : i32 to vector<16xi32>
      %eq3A_441 = arith.cmpi eq, %add3A_5, %eq3A_440 : vector<16xi32>
      %select_n3A_442 = arith.select %lt3A_435, %get3A_427, %broadcast_in_dim3A_8 : vector<16xi1>, vector<16xf32>
      %max3A_443 = arith.maximumf %max3A_397, %select_n3A_442 : vector<16xf32>
      %select_n3A_444 = arith.select %lt3A_437, %get3A_433, %broadcast_in_dim3A_8 : vector<16xi1>, vector<16xf32>
      %max3A_445 = arith.maximumf %max3A_399, %select_n3A_444 : vector<16xf32>
      %select_n3A_446 = arith.select %eq3A_439, %get3A_427, %broadcast_in_dim3A_6 : vector<16xi1>, vector<16xf32>
      %add3A_447 = arith.addf %add3A_401, %select_n3A_446 : vector<16xf32>
      %select_n3A_448 = arith.select %eq3A_441, %get3A_433, %broadcast_in_dim3A_6 : vector<16xi1>, vector<16xf32>
      %add3A_449 = arith.addf %add3A_403, %select_n3A_448 : vector<16xf32>
      %select_n3A_450 = arith.select %eq3A_439, %broadcast_in_dim3A_10, %broadcast_in_dim3A_6 : vector<16xi1>, vector<16xf32>
      %add3A_451 = arith.addf %add3A_405, %select_n3A_450 : vector<16xf32>
      %select_n3A_452 = arith.select %eq3A_441, %broadcast_in_dim3A_10, %broadcast_in_dim3A_6 : vector<16xi1>, vector<16xf32>
      %add3A_453 = arith.addf %add3A_407, %select_n3A_452 : vector<16xf32>
      %select_n3A_454 = arith.select %lt3A_435, %broadcast_in_dim3A_10, %broadcast_in_dim3A_6 : vector<16xi1>, vector<16xf32>
      %add3A_455 = arith.addf %add3A_409, %select_n3A_454 : vector<16xf32>
      %select_n3A_456 = arith.select %lt3A_437, %broadcast_in_dim3A_10, %broadcast_in_dim3A_6 : vector<16xi1>, vector<16xf32>
      %add3A_457 = arith.addf %add3A_411, %select_n3A_456 : vector<16xf32>
      %slice3A_458 = vector.extract_strided_slice %get3A_93 {offsets = [8], sizes = [1], strides = [1]} : vector<16xi32> to vector<1xi32>
      %squeeze3A_459 = vector.extract %slice3A_458[0] : i32 from vector<1xi32>
      %slice3A_460 = vector.extract_strided_slice %get3A_96 {offsets = [8], sizes = [1], strides = [1]} : vector<16xi32> to vector<1xi32>
      %squeeze3A_461 = vector.extract %slice3A_460[0] : i32 from vector<1xi32>
      %eq3A_462 = arith.constant 1 : i32
      %eq3A_463 = arith.cmpi eq, %squeeze3A_461, %eq3A_462 : i32
      %jit3A_464 = arith.constant 32 : i32
      %select_n3A_465 = arith.select %eq3A_463, %jit3A_464, %squeeze3A_459 : i32
      %jit3A_466 = arith.constant -1 : i32
      %select_n3A_467 = arith.select %eq3A_463, %squeeze3A_459, %jit3A_466 : i32
      %add3A_468 = arith.constant 8 : i32
      %add3A_469 = arith.addi %mul3A_91, %add3A_468 : i32
      %get3A_470 = arith.index_cast %add3A_469 : i32 to index
      %get3A_471 = arith.constant 0 : index
      %get3A_472 = tpu.vector_load %arg6[%get3A_470, %get3A_471] {strides = array<i32>} : memref<128x32xf32, #tpu.memory_space<vmem>>, vector<1x16xf32>,
      %get3A_473 = vector.shape_cast %get3A_472 : vector<1x16xf32> to vector<16xf32>
      %add3A_474 = arith.constant 8 : i32
      %add3A_475 = arith.addi %mul3A_91, %add3A_474 : i32
      %get3A_476 = arith.index_cast %add3A_475 : i32 to index
      %get3A_477 = arith.constant 16 : index
      %get3A_478 = tpu.vector_load %arg6[%get3A_476, %get3A_477] {strides = array<i32>} : memref<128x32xf32, #tpu.memory_space<vmem>>, vector<1x16xf32>,
      %get3A_479 = vector.shape_cast %get3A_478 : vector<1x16xf32> to vector<16xf32>
      %lt3A_480 = vector.broadcast %select_n3A_465 : i32 to vector<16xi32>
      %lt3A_481 = arith.cmpi slt, %iota3A, %lt3A_480 : vector<16xi32>
      %lt3A_482 = vector.broadcast %select_n3A_465 : i32 to vector<16xi32>
      %lt3A_483 = arith.cmpi slt, %add3A_5, %lt3A_482 : vector<16xi32>
      %eq3A_484 = vector.broadcast %select_n3A_467 : i32 to vector<16xi32>
      %eq3A_485 = arith.cmpi eq, %iota3A, %eq3A_484 : vector<16xi32>
      %eq3A_486 = vector.broadcast %select_n3A_467 : i32 to vector<16xi32>
      %eq3A_487 = arith.cmpi eq, %add3A_5, %eq3A_486 : vector<16xi32>
      %select_n3A_488 = arith.select %lt3A_481, %get3A_473, %broadcast_in_dim3A_8 : vector<16xi1>, vector<16xf32>
      %max3A_489 = arith.maximumf %max3A_443, %select_n3A_488 : vector<16xf32>
      %select_n3A_490 = arith.select %lt3A_483, %get3A_479, %broadcast_in_dim3A_8 : vector<16xi1>, vector<16xf32>
      %max3A_491 = arith.maximumf %max3A_445, %select_n3A_490 : vector<16xf32>
      %select_n3A_492 = arith.select %eq3A_485, %get3A_473, %broadcast_in_dim3A_6 : vector<16xi1>, vector<16xf32>
      %add3A_493 = arith.addf %add3A_447, %select_n3A_492 : vector<16xf32>
      %select_n3A_494 = arith.select %eq3A_487, %get3A_479, %broadcast_in_dim3A_6 : vector<16xi1>, vector<16xf32>
      %add3A_495 = arith.addf %add3A_449, %select_n3A_494 : vector<16xf32>
      %select_n3A_496 = arith.select %eq3A_485, %broadcast_in_dim3A_10, %broadcast_in_dim3A_6 : vector<16xi1>, vector<16xf32>
      %add3A_497 = arith.addf %add3A_451, %select_n3A_496 : vector<16xf32>
      %select_n3A_498 = arith.select %eq3A_487, %broadcast_in_dim3A_10, %broadcast_in_dim3A_6 : vector<16xi1>, vector<16xf32>
      %add3A_499 = arith.addf %add3A_453, %select_n3A_498 : vector<16xf32>
      %select_n3A_500 = arith.select %lt3A_481, %broadcast_in_dim3A_10, %broadcast_in_dim3A_6 : vector<16xi1>, vector<16xf32>
      %add3A_501 = arith.addf %add3A_455, %select_n3A_500 : vector<16xf32>
      %select_n3A_502 = arith.select %lt3A_483, %broadcast_in_dim3A_10, %broadcast_in_dim3A_6 : vector<16xi1>, vector<16xf32>
      %add3A_503 = arith.addf %add3A_457, %select_n3A_502 : vector<16xf32>
      %slice3A_504 = vector.extract_strided_slice %get3A_93 {offsets = [9], sizes = [1], strides = [1]} : vector<16xi32> to vector<1xi32>
      %squeeze3A_505 = vector.extract %slice3A_504[0] : i32 from vector<1xi32>
      %slice3A_506 = vector.extract_strided_slice %get3A_96 {offsets = [9], sizes = [1], strides = [1]} : vector<16xi32> to vector<1xi32>
      %squeeze3A_507 = vector.extract %slice3A_506[0] : i32 from vector<1xi32>
      %eq3A_508 = arith.constant 1 : i32
      %eq3A_509 = arith.cmpi eq, %squeeze3A_507, %eq3A_508 : i32
      %jit3A_510 = arith.constant 32 : i32
      %select_n3A_511 = arith.select %eq3A_509, %jit3A_510, %squeeze3A_505 : i32
      %jit3A_512 = arith.constant -1 : i32
      %select_n3A_513 = arith.select %eq3A_509, %squeeze3A_505, %jit3A_512 : i32
      %add3A_514 = arith.constant 9 : i32
      %add3A_515 = arith.addi %mul3A_91, %add3A_514 : i32
      %get3A_516 = arith.index_cast %add3A_515 : i32 to index
      %get3A_517 = arith.constant 0 : index
      %get3A_518 = tpu.vector_load %arg6[%get3A_516, %get3A_517] {strides = array<i32>} : memref<128x32xf32, #tpu.memory_space<vmem>>, vector<1x16xf32>,
      %get3A_519 = vector.shape_cast %get3A_518 : vector<1x16xf32> to vector<16xf32>
      %add3A_520 = arith.constant 9 : i32
      %add3A_521 = arith.addi %mul3A_91, %add3A_520 : i32
      %get3A_522 = arith.index_cast %add3A_521 : i32 to index
      %get3A_523 = arith.constant 16 : index
      %get3A_524 = tpu.vector_load %arg6[%get3A_522, %get3A_523] {strides = array<i32>} : memref<128x32xf32, #tpu.memory_space<vmem>>, vector<1x16xf32>,
      %get3A_525 = vector.shape_cast %get3A_524 : vector<1x16xf32> to vector<16xf32>
      %lt3A_526 = vector.broadcast %select_n3A_511 : i32 to vector<16xi32>
      %lt3A_527 = arith.cmpi slt, %iota3A, %lt3A_526 : vector<16xi32>
      %lt3A_528 = vector.broadcast %select_n3A_511 : i32 to vector<16xi32>
      %lt3A_529 = arith.cmpi slt, %add3A_5, %lt3A_528 : vector<16xi32>
      %eq3A_530 = vector.broadcast %select_n3A_513 : i32 to vector<16xi32>
      %eq3A_531 = arith.cmpi eq, %iota3A, %eq3A_530 : vector<16xi32>
      %eq3A_532 = vector.broadcast %select_n3A_513 : i32 to vector<16xi32>
      %eq3A_533 = arith.cmpi eq, %add3A_5, %eq3A_532 : vector<16xi32>
      %select_n3A_534 = arith.select %lt3A_527, %get3A_519, %broadcast_in_dim3A_8 : vector<16xi1>, vector<16xf32>
      %max3A_535 = arith.maximumf %max3A_489, %select_n3A_534 : vector<16xf32>
      %select_n3A_536 = arith.select %lt3A_529, %get3A_525, %broadcast_in_dim3A_8 : vector<16xi1>, vector<16xf32>
      %max3A_537 = arith.maximumf %max3A_491, %select_n3A_536 : vector<16xf32>
      %select_n3A_538 = arith.select %eq3A_531, %get3A_519, %broadcast_in_dim3A_6 : vector<16xi1>, vector<16xf32>
      %add3A_539 = arith.addf %add3A_493, %select_n3A_538 : vector<16xf32>
      %select_n3A_540 = arith.select %eq3A_533, %get3A_525, %broadcast_in_dim3A_6 : vector<16xi1>, vector<16xf32>
      %add3A_541 = arith.addf %add3A_495, %select_n3A_540 : vector<16xf32>
      %select_n3A_542 = arith.select %eq3A_531, %broadcast_in_dim3A_10, %broadcast_in_dim3A_6 : vector<16xi1>, vector<16xf32>
      %add3A_543 = arith.addf %add3A_497, %select_n3A_542 : vector<16xf32>
      %select_n3A_544 = arith.select %eq3A_533, %broadcast_in_dim3A_10, %broadcast_in_dim3A_6 : vector<16xi1>, vector<16xf32>
      %add3A_545 = arith.addf %add3A_499, %select_n3A_544 : vector<16xf32>
      %select_n3A_546 = arith.select %lt3A_527, %broadcast_in_dim3A_10, %broadcast_in_dim3A_6 : vector<16xi1>, vector<16xf32>
      %add3A_547 = arith.addf %add3A_501, %select_n3A_546 : vector<16xf32>
      %select_n3A_548 = arith.select %lt3A_529, %broadcast_in_dim3A_10, %broadcast_in_dim3A_6 : vector<16xi1>, vector<16xf32>
      %add3A_549 = arith.addf %add3A_503, %select_n3A_548 : vector<16xf32>
      %slice3A_550 = vector.extract_strided_slice %get3A_93 {offsets = [10], sizes = [1], strides = [1]} : vector<16xi32> to vector<1xi32>
      %squeeze3A_551 = vector.extract %slice3A_550[0] : i32 from vector<1xi32>
      %slice3A_552 = vector.extract_strided_slice %get3A_96 {offsets = [10], sizes = [1], strides = [1]} : vector<16xi32> to vector<1xi32>
      %squeeze3A_553 = vector.extract %slice3A_552[0] : i32 from vector<1xi32>
      %eq3A_554 = arith.constant 1 : i32
      %eq3A_555 = arith.cmpi eq, %squeeze3A_553, %eq3A_554 : i32
      %jit3A_556 = arith.constant 32 : i32
      %select_n3A_557 = arith.select %eq3A_555, %jit3A_556, %squeeze3A_551 : i32
      %jit3A_558 = arith.constant -1 : i32
      %select_n3A_559 = arith.select %eq3A_555, %squeeze3A_551, %jit3A_558 : i32
      %add3A_560 = arith.constant 10 : i32
      %add3A_561 = arith.addi %mul3A_91, %add3A_560 : i32
      %get3A_562 = arith.index_cast %add3A_561 : i32 to index
      %get3A_563 = arith.constant 0 : index
      %get3A_564 = tpu.vector_load %arg6[%get3A_562, %get3A_563] {strides = array<i32>} : memref<128x32xf32, #tpu.memory_space<vmem>>, vector<1x16xf32>,
      %get3A_565 = vector.shape_cast %get3A_564 : vector<1x16xf32> to vector<16xf32>
      %add3A_566 = arith.constant 10 : i32
      %add3A_567 = arith.addi %mul3A_91, %add3A_566 : i32
      %get3A_568 = arith.index_cast %add3A_567 : i32 to index
      %get3A_569 = arith.constant 16 : index
      %get3A_570 = tpu.vector_load %arg6[%get3A_568, %get3A_569] {strides = array<i32>} : memref<128x32xf32, #tpu.memory_space<vmem>>, vector<1x16xf32>,
      %get3A_571 = vector.shape_cast %get3A_570 : vector<1x16xf32> to vector<16xf32>
      %lt3A_572 = vector.broadcast %select_n3A_557 : i32 to vector<16xi32>
      %lt3A_573 = arith.cmpi slt, %iota3A, %lt3A_572 : vector<16xi32>
      %lt3A_574 = vector.broadcast %select_n3A_557 : i32 to vector<16xi32>
      %lt3A_575 = arith.cmpi slt, %add3A_5, %lt3A_574 : vector<16xi32>
      %eq3A_576 = vector.broadcast %select_n3A_559 : i32 to vector<16xi32>
      %eq3A_577 = arith.cmpi eq, %iota3A, %eq3A_576 : vector<16xi32>
      %eq3A_578 = vector.broadcast %select_n3A_559 : i32 to vector<16xi32>
      %eq3A_579 = arith.cmpi eq, %add3A_5, %eq3A_578 : vector<16xi32>
      %select_n3A_580 = arith.select %lt3A_573, %get3A_565, %broadcast_in_dim3A_8 : vector<16xi1>, vector<16xf32>
      %max3A_581 = arith.maximumf %max3A_535, %select_n3A_580 : vector<16xf32>
      %select_n3A_582 = arith.select %lt3A_575, %get3A_571, %broadcast_in_dim3A_8 : vector<16xi1>, vector<16xf32>
      %max3A_583 = arith.maximumf %max3A_537, %select_n3A_582 : vector<16xf32>
      %select_n3A_584 = arith.select %eq3A_577, %get3A_565, %broadcast_in_dim3A_6 : vector<16xi1>, vector<16xf32>
      %add3A_585 = arith.addf %add3A_539, %select_n3A_584 : vector<16xf32>
      %select_n3A_586 = arith.select %eq3A_579, %get3A_571, %broadcast_in_dim3A_6 : vector<16xi1>, vector<16xf32>
      %add3A_587 = arith.addf %add3A_541, %select_n3A_586 : vector<16xf32>
      %select_n3A_588 = arith.select %eq3A_577, %broadcast_in_dim3A_10, %broadcast_in_dim3A_6 : vector<16xi1>, vector<16xf32>
      %add3A_589 = arith.addf %add3A_543, %select_n3A_588 : vector<16xf32>
      %select_n3A_590 = arith.select %eq3A_579, %broadcast_in_dim3A_10, %broadcast_in_dim3A_6 : vector<16xi1>, vector<16xf32>
      %add3A_591 = arith.addf %add3A_545, %select_n3A_590 : vector<16xf32>
      %select_n3A_592 = arith.select %lt3A_573, %broadcast_in_dim3A_10, %broadcast_in_dim3A_6 : vector<16xi1>, vector<16xf32>
      %add3A_593 = arith.addf %add3A_547, %select_n3A_592 : vector<16xf32>
      %select_n3A_594 = arith.select %lt3A_575, %broadcast_in_dim3A_10, %broadcast_in_dim3A_6 : vector<16xi1>, vector<16xf32>
      %add3A_595 = arith.addf %add3A_549, %select_n3A_594 : vector<16xf32>
      %slice3A_596 = vector.extract_strided_slice %get3A_93 {offsets = [11], sizes = [1], strides = [1]} : vector<16xi32> to vector<1xi32>
      %squeeze3A_597 = vector.extract %slice3A_596[0] : i32 from vector<1xi32>
      %slice3A_598 = vector.extract_strided_slice %get3A_96 {offsets = [11], sizes = [1], strides = [1]} : vector<16xi32> to vector<1xi32>
      %squeeze3A_599 = vector.extract %slice3A_598[0] : i32 from vector<1xi32>
      %eq3A_600 = arith.constant 1 : i32
      %eq3A_601 = arith.cmpi eq, %squeeze3A_599, %eq3A_600 : i32
      %jit3A_602 = arith.constant 32 : i32
      %select_n3A_603 = arith.select %eq3A_601, %jit3A_602, %squeeze3A_597 : i32
      %jit3A_604 = arith.constant -1 : i32
      %select_n3A_605 = arith.select %eq3A_601, %squeeze3A_597, %jit3A_604 : i32
      %add3A_606 = arith.constant 11 : i32
      %add3A_607 = arith.addi %mul3A_91, %add3A_606 : i32
      %get3A_608 = arith.index_cast %add3A_607 : i32 to index
      %get3A_609 = arith.constant 0 : index
      %get3A_610 = tpu.vector_load %arg6[%get3A_608, %get3A_609] {strides = array<i32>} : memref<128x32xf32, #tpu.memory_space<vmem>>, vector<1x16xf32>,
      %get3A_611 = vector.shape_cast %get3A_610 : vector<1x16xf32> to vector<16xf32>
      %add3A_612 = arith.constant 11 : i32
      %add3A_613 = arith.addi %mul3A_91, %add3A_612 : i32
      %get3A_614 = arith.index_cast %add3A_613 : i32 to index
      %get3A_615 = arith.constant 16 : index
      %get3A_616 = tpu.vector_load %arg6[%get3A_614, %get3A_615] {strides = array<i32>} : memref<128x32xf32, #tpu.memory_space<vmem>>, vector<1x16xf32>,
      %get3A_617 = vector.shape_cast %get3A_616 : vector<1x16xf32> to vector<16xf32>
      %lt3A_618 = vector.broadcast %select_n3A_603 : i32 to vector<16xi32>
      %lt3A_619 = arith.cmpi slt, %iota3A, %lt3A_618 : vector<16xi32>
      %lt3A_620 = vector.broadcast %select_n3A_603 : i32 to vector<16xi32>
      %lt3A_621 = arith.cmpi slt, %add3A_5, %lt3A_620 : vector<16xi32>
      %eq3A_622 = vector.broadcast %select_n3A_605 : i32 to vector<16xi32>
      %eq3A_623 = arith.cmpi eq, %iota3A, %eq3A_622 : vector<16xi32>
      %eq3A_624 = vector.broadcast %select_n3A_605 : i32 to vector<16xi32>
      %eq3A_625 = arith.cmpi eq, %add3A_5, %eq3A_624 : vector<16xi32>
      %select_n3A_626 = arith.select %lt3A_619, %get3A_611, %broadcast_in_dim3A_8 : vector<16xi1>, vector<16xf32>
      %max3A_627 = arith.maximumf %max3A_581, %select_n3A_626 : vector<16xf32>
      %select_n3A_628 = arith.select %lt3A_621, %get3A_617, %broadcast_in_dim3A_8 : vector<16xi1>, vector<16xf32>
      %max3A_629 = arith.maximumf %max3A_583, %select_n3A_628 : vector<16xf32>
      %select_n3A_630 = arith.select %eq3A_623, %get3A_611, %broadcast_in_dim3A_6 : vector<16xi1>, vector<16xf32>
      %add3A_631 = arith.addf %add3A_585, %select_n3A_630 : vector<16xf32>
      %select_n3A_632 = arith.select %eq3A_625, %get3A_617, %broadcast_in_dim3A_6 : vector<16xi1>, vector<16xf32>
      %add3A_633 = arith.addf %add3A_587, %select_n3A_632 : vector<16xf32>
      %select_n3A_634 = arith.select %eq3A_623, %broadcast_in_dim3A_10, %broadcast_in_dim3A_6 : vector<16xi1>, vector<16xf32>
      %add3A_635 = arith.addf %add3A_589, %select_n3A_634 : vector<16xf32>
      %select_n3A_636 = arith.select %eq3A_625, %broadcast_in_dim3A_10, %broadcast_in_dim3A_6 : vector<16xi1>, vector<16xf32>
      %add3A_637 = arith.addf %add3A_591, %select_n3A_636 : vector<16xf32>
      %select_n3A_638 = arith.select %lt3A_619, %broadcast_in_dim3A_10, %broadcast_in_dim3A_6 : vector<16xi1>, vector<16xf32>
      %add3A_639 = arith.addf %add3A_593, %select_n3A_638 : vector<16xf32>
      %select_n3A_640 = arith.select %lt3A_621, %broadcast_in_dim3A_10, %broadcast_in_dim3A_6 : vector<16xi1>, vector<16xf32>
      %add3A_641 = arith.addf %add3A_595, %select_n3A_640 : vector<16xf32>
      %slice3A_642 = vector.extract_strided_slice %get3A_93 {offsets = [12], sizes = [1], strides = [1]} : vector<16xi32> to vector<1xi32>
      %squeeze3A_643 = vector.extract %slice3A_642[0] : i32 from vector<1xi32>
      %slice3A_644 = vector.extract_strided_slice %get3A_96 {offsets = [12], sizes = [1], strides = [1]} : vector<16xi32> to vector<1xi32>
      %squeeze3A_645 = vector.extract %slice3A_644[0] : i32 from vector<1xi32>
      %eq3A_646 = arith.constant 1 : i32
      %eq3A_647 = arith.cmpi eq, %squeeze3A_645, %eq3A_646 : i32
      %jit3A_648 = arith.constant 32 : i32
      %select_n3A_649 = arith.select %eq3A_647, %jit3A_648, %squeeze3A_643 : i32
      %jit3A_650 = arith.constant -1 : i32
      %select_n3A_651 = arith.select %eq3A_647, %squeeze3A_643, %jit3A_650 : i32
      %add3A_652 = arith.constant 12 : i32
      %add3A_653 = arith.addi %mul3A_91, %add3A_652 : i32
      %get3A_654 = arith.index_cast %add3A_653 : i32 to index
      %get3A_655 = arith.constant 0 : index
      %get3A_656 = tpu.vector_load %arg6[%get3A_654, %get3A_655] {strides = array<i32>} : memref<128x32xf32, #tpu.memory_space<vmem>>, vector<1x16xf32>,
      %get3A_657 = vector.shape_cast %get3A_656 : vector<1x16xf32> to vector<16xf32>
      %add3A_658 = arith.constant 12 : i32
      %add3A_659 = arith.addi %mul3A_91, %add3A_658 : i32
      %get3A_660 = arith.index_cast %add3A_659 : i32 to index
      %get3A_661 = arith.constant 16 : index
      %get3A_662 = tpu.vector_load %arg6[%get3A_660, %get3A_661] {strides = array<i32>} : memref<128x32xf32, #tpu.memory_space<vmem>>, vector<1x16xf32>,
      %get3A_663 = vector.shape_cast %get3A_662 : vector<1x16xf32> to vector<16xf32>
      %lt3A_664 = vector.broadcast %select_n3A_649 : i32 to vector<16xi32>
      %lt3A_665 = arith.cmpi slt, %iota3A, %lt3A_664 : vector<16xi32>
      %lt3A_666 = vector.broadcast %select_n3A_649 : i32 to vector<16xi32>
      %lt3A_667 = arith.cmpi slt, %add3A_5, %lt3A_666 : vector<16xi32>
      %eq3A_668 = vector.broadcast %select_n3A_651 : i32 to vector<16xi32>
      %eq3A_669 = arith.cmpi eq, %iota3A, %eq3A_668 : vector<16xi32>
      %eq3A_670 = vector.broadcast %select_n3A_651 : i32 to vector<16xi32>
      %eq3A_671 = arith.cmpi eq, %add3A_5, %eq3A_670 : vector<16xi32>
      %select_n3A_672 = arith.select %lt3A_665, %get3A_657, %broadcast_in_dim3A_8 : vector<16xi1>, vector<16xf32>
      %max3A_673 = arith.maximumf %max3A_627, %select_n3A_672 : vector<16xf32>
      %select_n3A_674 = arith.select %lt3A_667, %get3A_663, %broadcast_in_dim3A_8 : vector<16xi1>, vector<16xf32>
      %max3A_675 = arith.maximumf %max3A_629, %select_n3A_674 : vector<16xf32>
      %select_n3A_676 = arith.select %eq3A_669, %get3A_657, %broadcast_in_dim3A_6 : vector<16xi1>, vector<16xf32>
      %add3A_677 = arith.addf %add3A_631, %select_n3A_676 : vector<16xf32>
      %select_n3A_678 = arith.select %eq3A_671, %get3A_663, %broadcast_in_dim3A_6 : vector<16xi1>, vector<16xf32>
      %add3A_679 = arith.addf %add3A_633, %select_n3A_678 : vector<16xf32>
      %select_n3A_680 = arith.select %eq3A_669, %broadcast_in_dim3A_10, %broadcast_in_dim3A_6 : vector<16xi1>, vector<16xf32>
      %add3A_681 = arith.addf %add3A_635, %select_n3A_680 : vector<16xf32>
      %select_n3A_682 = arith.select %eq3A_671, %broadcast_in_dim3A_10, %broadcast_in_dim3A_6 : vector<16xi1>, vector<16xf32>
      %add3A_683 = arith.addf %add3A_637, %select_n3A_682 : vector<16xf32>
      %select_n3A_684 = arith.select %lt3A_665, %broadcast_in_dim3A_10, %broadcast_in_dim3A_6 : vector<16xi1>, vector<16xf32>
      %add3A_685 = arith.addf %add3A_639, %select_n3A_684 : vector<16xf32>
      %select_n3A_686 = arith.select %lt3A_667, %broadcast_in_dim3A_10, %broadcast_in_dim3A_6 : vector<16xi1>, vector<16xf32>
      %add3A_687 = arith.addf %add3A_641, %select_n3A_686 : vector<16xf32>
      %slice3A_688 = vector.extract_strided_slice %get3A_93 {offsets = [13], sizes = [1], strides = [1]} : vector<16xi32> to vector<1xi32>
      %squeeze3A_689 = vector.extract %slice3A_688[0] : i32 from vector<1xi32>
      %slice3A_690 = vector.extract_strided_slice %get3A_96 {offsets = [13], sizes = [1], strides = [1]} : vector<16xi32> to vector<1xi32>
      %squeeze3A_691 = vector.extract %slice3A_690[0] : i32 from vector<1xi32>
      %eq3A_692 = arith.constant 1 : i32
      %eq3A_693 = arith.cmpi eq, %squeeze3A_691, %eq3A_692 : i32
      %jit3A_694 = arith.constant 32 : i32
      %select_n3A_695 = arith.select %eq3A_693, %jit3A_694, %squeeze3A_689 : i32
      %jit3A_696 = arith.constant -1 : i32
      %select_n3A_697 = arith.select %eq3A_693, %squeeze3A_689, %jit3A_696 : i32
      %add3A_698 = arith.constant 13 : i32
      %add3A_699 = arith.addi %mul3A_91, %add3A_698 : i32
      %get3A_700 = arith.index_cast %add3A_699 : i32 to index
      %get3A_701 = arith.constant 0 : index
      %get3A_702 = tpu.vector_load %arg6[%get3A_700, %get3A_701] {strides = array<i32>} : memref<128x32xf32, #tpu.memory_space<vmem>>, vector<1x16xf32>,
      %get3A_703 = vector.shape_cast %get3A_702 : vector<1x16xf32> to vector<16xf32>
      %add3A_704 = arith.constant 13 : i32
      %add3A_705 = arith.addi %mul3A_91, %add3A_704 : i32
      %get3A_706 = arith.index_cast %add3A_705 : i32 to index
      %get3A_707 = arith.constant 16 : index
      %get3A_708 = tpu.vector_load %arg6[%get3A_706, %get3A_707] {strides = array<i32>} : memref<128x32xf32, #tpu.memory_space<vmem>>, vector<1x16xf32>,
      %get3A_709 = vector.shape_cast %get3A_708 : vector<1x16xf32> to vector<16xf32>
      %lt3A_710 = vector.broadcast %select_n3A_695 : i32 to vector<16xi32>
      %lt3A_711 = arith.cmpi slt, %iota3A, %lt3A_710 : vector<16xi32>
      %lt3A_712 = vector.broadcast %select_n3A_695 : i32 to vector<16xi32>
      %lt3A_713 = arith.cmpi slt, %add3A_5, %lt3A_712 : vector<16xi32>
      %eq3A_714 = vector.broadcast %select_n3A_697 : i32 to vector<16xi32>
      %eq3A_715 = arith.cmpi eq, %iota3A, %eq3A_714 : vector<16xi32>
      %eq3A_716 = vector.broadcast %select_n3A_697 : i32 to vector<16xi32>
      %eq3A_717 = arith.cmpi eq, %add3A_5, %eq3A_716 : vector<16xi32>
      %select_n3A_718 = arith.select %lt3A_711, %get3A_703, %broadcast_in_dim3A_8 : vector<16xi1>, vector<16xf32>
      %max3A_719 = arith.maximumf %max3A_673, %select_n3A_718 : vector<16xf32>
      %select_n3A_720 = arith.select %lt3A_713, %get3A_709, %broadcast_in_dim3A_8 : vector<16xi1>, vector<16xf32>
      %max3A_721 = arith.maximumf %max3A_675, %select_n3A_720 : vector<16xf32>
      %select_n3A_722 = arith.select %eq3A_715, %get3A_703, %broadcast_in_dim3A_6 : vector<16xi1>, vector<16xf32>
      %add3A_723 = arith.addf %add3A_677, %select_n3A_722 : vector<16xf32>
      %select_n3A_724 = arith.select %eq3A_717, %get3A_709, %broadcast_in_dim3A_6 : vector<16xi1>, vector<16xf32>
      %add3A_725 = arith.addf %add3A_679, %select_n3A_724 : vector<16xf32>
      %select_n3A_726 = arith.select %eq3A_715, %broadcast_in_dim3A_10, %broadcast_in_dim3A_6 : vector<16xi1>, vector<16xf32>
      %add3A_727 = arith.addf %add3A_681, %select_n3A_726 : vector<16xf32>
      %select_n3A_728 = arith.select %eq3A_717, %broadcast_in_dim3A_10, %broadcast_in_dim3A_6 : vector<16xi1>, vector<16xf32>
      %add3A_729 = arith.addf %add3A_683, %select_n3A_728 : vector<16xf32>
      %select_n3A_730 = arith.select %lt3A_711, %broadcast_in_dim3A_10, %broadcast_in_dim3A_6 : vector<16xi1>, vector<16xf32>
      %add3A_731 = arith.addf %add3A_685, %select_n3A_730 : vector<16xf32>
      %select_n3A_732 = arith.select %lt3A_713, %broadcast_in_dim3A_10, %broadcast_in_dim3A_6 : vector<16xi1>, vector<16xf32>
      %add3A_733 = arith.addf %add3A_687, %select_n3A_732 : vector<16xf32>
      %slice3A_734 = vector.extract_strided_slice %get3A_93 {offsets = [14], sizes = [1], strides = [1]} : vector<16xi32> to vector<1xi32>
      %squeeze3A_735 = vector.extract %slice3A_734[0] : i32 from vector<1xi32>
      %slice3A_736 = vector.extract_strided_slice %get3A_96 {offsets = [14], sizes = [1], strides = [1]} : vector<16xi32> to vector<1xi32>
      %squeeze3A_737 = vector.extract %slice3A_736[0] : i32 from vector<1xi32>
      %eq3A_738 = arith.constant 1 : i32
      %eq3A_739 = arith.cmpi eq, %squeeze3A_737, %eq3A_738 : i32
      %jit3A_740 = arith.constant 32 : i32
      %select_n3A_741 = arith.select %eq3A_739, %jit3A_740, %squeeze3A_735 : i32
      %jit3A_742 = arith.constant -1 : i32
      %select_n3A_743 = arith.select %eq3A_739, %squeeze3A_735, %jit3A_742 : i32
      %add3A_744 = arith.constant 14 : i32
      %add3A_745 = arith.addi %mul3A_91, %add3A_744 : i32
      %get3A_746 = arith.index_cast %add3A_745 : i32 to index
      %get3A_747 = arith.constant 0 : index
      %get3A_748 = tpu.vector_load %arg6[%get3A_746, %get3A_747] {strides = array<i32>} : memref<128x32xf32, #tpu.memory_space<vmem>>, vector<1x16xf32>,
      %get3A_749 = vector.shape_cast %get3A_748 : vector<1x16xf32> to vector<16xf32>
      %add3A_750 = arith.constant 14 : i32
      %add3A_751 = arith.addi %mul3A_91, %add3A_750 : i32
      %get3A_752 = arith.index_cast %add3A_751 : i32 to index
      %get3A_753 = arith.constant 16 : index
      %get3A_754 = tpu.vector_load %arg6[%get3A_752, %get3A_753] {strides = array<i32>} : memref<128x32xf32, #tpu.memory_space<vmem>>, vector<1x16xf32>,
      %get3A_755 = vector.shape_cast %get3A_754 : vector<1x16xf32> to vector<16xf32>
      %lt3A_756 = vector.broadcast %select_n3A_741 : i32 to vector<16xi32>
      %lt3A_757 = arith.cmpi slt, %iota3A, %lt3A_756 : vector<16xi32>
      %lt3A_758 = vector.broadcast %select_n3A_741 : i32 to vector<16xi32>
      %lt3A_759 = arith.cmpi slt, %add3A_5, %lt3A_758 : vector<16xi32>
      %eq3A_760 = vector.broadcast %select_n3A_743 : i32 to vector<16xi32>
      %eq3A_761 = arith.cmpi eq, %iota3A, %eq3A_760 : vector<16xi32>
      %eq3A_762 = vector.broadcast %select_n3A_743 : i32 to vector<16xi32>
      %eq3A_763 = arith.cmpi eq, %add3A_5, %eq3A_762 : vector<16xi32>
      %select_n3A_764 = arith.select %lt3A_757, %get3A_749, %broadcast_in_dim3A_8 : vector<16xi1>, vector<16xf32>
      %max3A_765 = arith.maximumf %max3A_719, %select_n3A_764 : vector<16xf32>
      %select_n3A_766 = arith.select %lt3A_759, %get3A_755, %broadcast_in_dim3A_8 : vector<16xi1>, vector<16xf32>
      %max3A_767 = arith.maximumf %max3A_721, %select_n3A_766 : vector<16xf32>
      %select_n3A_768 = arith.select %eq3A_761, %get3A_749, %broadcast_in_dim3A_6 : vector<16xi1>, vector<16xf32>
      %add3A_769 = arith.addf %add3A_723, %select_n3A_768 : vector<16xf32>
      %select_n3A_770 = arith.select %eq3A_763, %get3A_755, %broadcast_in_dim3A_6 : vector<16xi1>, vector<16xf32>
      %add3A_771 = arith.addf %add3A_725, %select_n3A_770 : vector<16xf32>
      %select_n3A_772 = arith.select %eq3A_761, %broadcast_in_dim3A_10, %broadcast_in_dim3A_6 : vector<16xi1>, vector<16xf32>
      %add3A_773 = arith.addf %add3A_727, %select_n3A_772 : vector<16xf32>
      %select_n3A_774 = arith.select %eq3A_763, %broadcast_in_dim3A_10, %broadcast_in_dim3A_6 : vector<16xi1>, vector<16xf32>
      %add3A_775 = arith.addf %add3A_729, %select_n3A_774 : vector<16xf32>
      %select_n3A_776 = arith.select %lt3A_757, %broadcast_in_dim3A_10, %broadcast_in_dim3A_6 : vector<16xi1>, vector<16xf32>
      %add3A_777 = arith.addf %add3A_731, %select_n3A_776 : vector<16xf32>
      %select_n3A_778 = arith.select %lt3A_759, %broadcast_in_dim3A_10, %broadcast_in_dim3A_6 : vector<16xi1>, vector<16xf32>
      %add3A_779 = arith.addf %add3A_733, %select_n3A_778 : vector<16xf32>
      %slice3A_780 = vector.extract_strided_slice %get3A_93 {offsets = [15], sizes = [1], strides = [1]} : vector<16xi32> to vector<1xi32>
      %squeeze3A_781 = vector.extract %slice3A_780[0] : i32 from vector<1xi32>
      %slice3A_782 = vector.extract_strided_slice %get3A_96 {offsets = [15], sizes = [1], strides = [1]} : vector<16xi32> to vector<1xi32>
      %squeeze3A_783 = vector.extract %slice3A_782[0] : i32 from vector<1xi32>
      %eq3A_784 = arith.constant 1 : i32
      %eq3A_785 = arith.cmpi eq, %squeeze3A_783, %eq3A_784 : i32
      %jit3A_786 = arith.constant 32 : i32
      %select_n3A_787 = arith.select %eq3A_785, %jit3A_786, %squeeze3A_781 : i32
      %jit3A_788 = arith.constant -1 : i32
      %select_n3A_789 = arith.select %eq3A_785, %squeeze3A_781, %jit3A_788 : i32
      %add3A_790 = arith.constant 15 : i32
      %add3A_791 = arith.addi %mul3A_91, %add3A_790 : i32
      %get3A_792 = arith.index_cast %add3A_791 : i32 to index
      %get3A_793 = arith.constant 0 : index
      %get3A_794 = tpu.vector_load %arg6[%get3A_792, %get3A_793] {strides = array<i32>} : memref<128x32xf32, #tpu.memory_space<vmem>>, vector<1x16xf32>,
      %get3A_795 = vector.shape_cast %get3A_794 : vector<1x16xf32> to vector<16xf32>
      %add3A_796 = arith.constant 15 : i32
      %add3A_797 = arith.addi %mul3A_91, %add3A_796 : i32
      %get3A_798 = arith.index_cast %add3A_797 : i32 to index
      %get3A_799 = arith.constant 16 : index
      %get3A_800 = tpu.vector_load %arg6[%get3A_798, %get3A_799] {strides = array<i32>} : memref<128x32xf32, #tpu.memory_space<vmem>>, vector<1x16xf32>,
      %get3A_801 = vector.shape_cast %get3A_800 : vector<1x16xf32> to vector<16xf32>
      %lt3A_802 = vector.broadcast %select_n3A_787 : i32 to vector<16xi32>
      %lt3A_803 = arith.cmpi slt, %iota3A, %lt3A_802 : vector<16xi32>
      %lt3A_804 = vector.broadcast %select_n3A_787 : i32 to vector<16xi32>
      %lt3A_805 = arith.cmpi slt, %add3A_5, %lt3A_804 : vector<16xi32>
      %eq3A_806 = vector.broadcast %select_n3A_789 : i32 to vector<16xi32>
      %eq3A_807 = arith.cmpi eq, %iota3A, %eq3A_806 : vector<16xi32>
      %eq3A_808 = vector.broadcast %select_n3A_789 : i32 to vector<16xi32>
      %eq3A_809 = arith.cmpi eq, %add3A_5, %eq3A_808 : vector<16xi32>
      %select_n3A_810 = arith.select %lt3A_803, %get3A_795, %broadcast_in_dim3A_8 : vector<16xi1>, vector<16xf32>
      %max3A_811 = arith.maximumf %max3A_765, %select_n3A_810 : vector<16xf32>
      %select_n3A_812 = arith.select %lt3A_805, %get3A_801, %broadcast_in_dim3A_8 : vector<16xi1>, vector<16xf32>
      %max3A_813 = arith.maximumf %max3A_767, %select_n3A_812 : vector<16xf32>
      %select_n3A_814 = arith.select %eq3A_807, %get3A_795, %broadcast_in_dim3A_6 : vector<16xi1>, vector<16xf32>
      %add3A_815 = arith.addf %add3A_769, %select_n3A_814 : vector<16xf32>
      %select_n3A_816 = arith.select %eq3A_809, %get3A_801, %broadcast_in_dim3A_6 : vector<16xi1>, vector<16xf32>
      %add3A_817 = arith.addf %add3A_771, %select_n3A_816 : vector<16xf32>
      %select_n3A_818 = arith.select %eq3A_807, %broadcast_in_dim3A_10, %broadcast_in_dim3A_6 : vector<16xi1>, vector<16xf32>
      %add3A_819 = arith.addf %add3A_773, %select_n3A_818 : vector<16xf32>
      %select_n3A_820 = arith.select %eq3A_809, %broadcast_in_dim3A_10, %broadcast_in_dim3A_6 : vector<16xi1>, vector<16xf32>
      %add3A_821 = arith.addf %add3A_775, %select_n3A_820 : vector<16xf32>
      %select_n3A_822 = arith.select %lt3A_803, %broadcast_in_dim3A_10, %broadcast_in_dim3A_6 : vector<16xi1>, vector<16xf32>
      %add3A_823 = arith.addf %add3A_777, %select_n3A_822 : vector<16xf32>
      %select_n3A_824 = arith.select %lt3A_805, %broadcast_in_dim3A_10, %broadcast_in_dim3A_6 : vector<16xi1>, vector<16xf32>
      %add3A_825 = arith.addf %add3A_779, %select_n3A_824 : vector<16xf32>
      scf.yield %max3A_811, %max3A_813, %add3A_815, %add3A_817, %add3A_819, %add3A_821, %add3A_823, %add3A_825 : vector<16xf32>, vector<16xf32>, vector<16xf32>, vector<16xf32>, vector<16xf32>, vector<16xf32>, vector<16xf32>, vector<16xf32>
    }
    %scan3A_15 = arith.constant 8 : i32
    %scan3A_16 = arith.constant 0 : i32
    %scan3A_17 = arith.constant 8 : i32
    %scan3A_18 = arith.addi %scan3A_16, %scan3A_17 : i32
    %scan3A_19 = arith.constant 1 : i32
    %scan3A_20:2 = scf.for %scan3A_81 = %scan3A_16 to %scan3A_18 step %scan3A_19 iter_args(%scan3A_82 = %broadcast_in_dim3A_6, %scan3A_83 = %broadcast_in_dim3A_6) -> (vector<16xf32>, vector<16xf32>)  : i32 {
      %mul3A_84 = arith.constant 16 : i32
      %mul3A_85 = arith.muli %scan3A_81, %mul3A_84 : i32
      %get3A = arith.index_cast %mul3A_85 : i32 to index
      %get3A_86 = tpu.vector_load %arg7[%get3A] {strides = array<i32>} : memref<128xi32, #tpu.memory_space<vmem>>, vector<16xi32>,
      %get3A_87 = vector.shape_cast %get3A_86 : vector<16xi32> to vector<16xi32>
      %get3A_88 = arith.index_cast %mul3A_85 : i32 to index
      %get3A_89 = tpu.vector_load %arg8[%get3A_88] {strides = array<i32>} : memref<128xi32, #tpu.memory_space<vmem>>, vector<16xi32>,
      %get3A_90 = vector.shape_cast %get3A_89 : vector<16xi32> to vector<16xi32>
      %slice3A = vector.extract_strided_slice %get3A_87 {offsets = [0], sizes = [1], strides = [1]} : vector<16xi32> to vector<1xi32>
      %squeeze3A = vector.extract %slice3A[0] : i32 from vector<1xi32>
      %slice3A_91 = vector.extract_strided_slice %get3A_90 {offsets = [0], sizes = [1], strides = [1]} : vector<16xi32> to vector<1xi32>
      %squeeze3A_92 = vector.extract %slice3A_91[0] : i32 from vector<1xi32>
      %eq3A = arith.constant 1 : i32
      %eq3A_93 = arith.cmpi eq, %squeeze3A_92, %eq3A : i32
      %jit3A = arith.constant 32 : i32
      %select_n3A = arith.select %eq3A_93, %jit3A, %squeeze3A : i32
      %add3A_94 = arith.constant 0 : i32
      %add3A_95 = arith.addi %mul3A_85, %add3A_94 : i32
      %get3A_96 = arith.index_cast %add3A_95 : i32 to index
      %get3A_97 = arith.constant 0 : index
      %get3A_98 = tpu.vector_load %arg6[%get3A_96, %get3A_97] {strides = array<i32>} : memref<128x32xf32, #tpu.memory_space<vmem>>, vector<1x16xf32>,
      %get3A_99 = vector.shape_cast %get3A_98 : vector<1x16xf32> to vector<16xf32>
      %add3A_100 = arith.constant 0 : i32
      %add3A_101 = arith.addi %mul3A_85, %add3A_100 : i32
      %get3A_102 = arith.index_cast %add3A_101 : i32 to index
      %get3A_103 = arith.constant 16 : index
      %get3A_104 = tpu.vector_load %arg6[%get3A_102, %get3A_103] {strides = array<i32>} : memref<128x32xf32, #tpu.memory_space<vmem>>, vector<1x16xf32>,
      %get3A_105 = vector.shape_cast %get3A_104 : vector<1x16xf32> to vector<16xf32>
      %lt3A = vector.broadcast %select_n3A : i32 to vector<16xi32>
      %lt3A_106 = arith.cmpi slt, %iota3A, %lt3A : vector<16xi32>
      %lt3A_107 = vector.broadcast %select_n3A : i32 to vector<16xi32>
      %lt3A_108 = arith.cmpi slt, %add3A_5, %lt3A_107 : vector<16xi32>
      %sub3A = arith.subf %get3A_99, %scan3A_14#0 : vector<16xf32>
      %select_n3A_109 = arith.select %lt3A_106, %sub3A, %broadcast_in_dim3A_6 : vector<16xi1>, vector<16xf32>
      %exp3A = math.exp %select_n3A_109 : vector<16xf32>
      %sub3A_110 = arith.subf %get3A_105, %scan3A_14#1 : vector<16xf32>
      %select_n3A_111 = arith.select %lt3A_108, %sub3A_110, %broadcast_in_dim3A_6 : vector<16xi1>, vector<16xf32>
      %exp3A_112 = math.exp %select_n3A_111 : vector<16xf32>
      %select_n3A_113 = arith.select %lt3A_106, %exp3A, %broadcast_in_dim3A_6 : vector<16xi1>, vector<16xf32>
      %add3A_114 = arith.addf %scan3A_82, %select_n3A_113 : vector<16xf32>
      %select_n3A_115 = arith.select %lt3A_108, %exp3A_112, %broadcast_in_dim3A_6 : vector<16xi1>, vector<16xf32>
      %add3A_116 = arith.addf %scan3A_83, %select_n3A_115 : vector<16xf32>
      %slice3A_117 = vector.extract_strided_slice %get3A_87 {offsets = [1], sizes = [1], strides = [1]} : vector<16xi32> to vector<1xi32>
      %squeeze3A_118 = vector.extract %slice3A_117[0] : i32 from vector<1xi32>
      %slice3A_119 = vector.extract_strided_slice %get3A_90 {offsets = [1], sizes = [1], strides = [1]} : vector<16xi32> to vector<1xi32>
      %squeeze3A_120 = vector.extract %slice3A_119[0] : i32 from vector<1xi32>
      %eq3A_121 = arith.constant 1 : i32
      %eq3A_122 = arith.cmpi eq, %squeeze3A_120, %eq3A_121 : i32
      %jit3A_123 = arith.constant 32 : i32
      %select_n3A_124 = arith.select %eq3A_122, %jit3A_123, %squeeze3A_118 : i32
      %add3A_125 = arith.constant 1 : i32
      %add3A_126 = arith.addi %mul3A_85, %add3A_125 : i32
      %get3A_127 = arith.index_cast %add3A_126 : i32 to index
      %get3A_128 = arith.constant 0 : index
      %get3A_129 = tpu.vector_load %arg6[%get3A_127, %get3A_128] {strides = array<i32>} : memref<128x32xf32, #tpu.memory_space<vmem>>, vector<1x16xf32>,
      %get3A_130 = vector.shape_cast %get3A_129 : vector<1x16xf32> to vector<16xf32>
      %add3A_131 = arith.constant 1 : i32
      %add3A_132 = arith.addi %mul3A_85, %add3A_131 : i32
      %get3A_133 = arith.index_cast %add3A_132 : i32 to index
      %get3A_134 = arith.constant 16 : index
      %get3A_135 = tpu.vector_load %arg6[%get3A_133, %get3A_134] {strides = array<i32>} : memref<128x32xf32, #tpu.memory_space<vmem>>, vector<1x16xf32>,
      %get3A_136 = vector.shape_cast %get3A_135 : vector<1x16xf32> to vector<16xf32>
      %lt3A_137 = vector.broadcast %select_n3A_124 : i32 to vector<16xi32>
      %lt3A_138 = arith.cmpi slt, %iota3A, %lt3A_137 : vector<16xi32>
      %lt3A_139 = vector.broadcast %select_n3A_124 : i32 to vector<16xi32>
      %lt3A_140 = arith.cmpi slt, %add3A_5, %lt3A_139 : vector<16xi32>
      %sub3A_141 = arith.subf %get3A_130, %scan3A_14#0 : vector<16xf32>
      %select_n3A_142 = arith.select %lt3A_138, %sub3A_141, %broadcast_in_dim3A_6 : vector<16xi1>, vector<16xf32>
      %exp3A_143 = math.exp %select_n3A_142 : vector<16xf32>
      %sub3A_144 = arith.subf %get3A_136, %scan3A_14#1 : vector<16xf32>
      %select_n3A_145 = arith.select %lt3A_140, %sub3A_144, %broadcast_in_dim3A_6 : vector<16xi1>, vector<16xf32>
      %exp3A_146 = math.exp %select_n3A_145 : vector<16xf32>
      %select_n3A_147 = arith.select %lt3A_138, %exp3A_143, %broadcast_in_dim3A_6 : vector<16xi1>, vector<16xf32>
      %add3A_148 = arith.addf %add3A_114, %select_n3A_147 : vector<16xf32>
      %select_n3A_149 = arith.select %lt3A_140, %exp3A_146, %broadcast_in_dim3A_6 : vector<16xi1>, vector<16xf32>
      %add3A_150 = arith.addf %add3A_116, %select_n3A_149 : vector<16xf32>
      %slice3A_151 = vector.extract_strided_slice %get3A_87 {offsets = [2], sizes = [1], strides = [1]} : vector<16xi32> to vector<1xi32>
      %squeeze3A_152 = vector.extract %slice3A_151[0] : i32 from vector<1xi32>
      %slice3A_153 = vector.extract_strided_slice %get3A_90 {offsets = [2], sizes = [1], strides = [1]} : vector<16xi32> to vector<1xi32>
      %squeeze3A_154 = vector.extract %slice3A_153[0] : i32 from vector<1xi32>
      %eq3A_155 = arith.constant 1 : i32
      %eq3A_156 = arith.cmpi eq, %squeeze3A_154, %eq3A_155 : i32
      %jit3A_157 = arith.constant 32 : i32
      %select_n3A_158 = arith.select %eq3A_156, %jit3A_157, %squeeze3A_152 : i32
      %add3A_159 = arith.constant 2 : i32
      %add3A_160 = arith.addi %mul3A_85, %add3A_159 : i32
      %get3A_161 = arith.index_cast %add3A_160 : i32 to index
      %get3A_162 = arith.constant 0 : index
      %get3A_163 = tpu.vector_load %arg6[%get3A_161, %get3A_162] {strides = array<i32>} : memref<128x32xf32, #tpu.memory_space<vmem>>, vector<1x16xf32>,
      %get3A_164 = vector.shape_cast %get3A_163 : vector<1x16xf32> to vector<16xf32>
      %add3A_165 = arith.constant 2 : i32
      %add3A_166 = arith.addi %mul3A_85, %add3A_165 : i32
      %get3A_167 = arith.index_cast %add3A_166 : i32 to index
      %get3A_168 = arith.constant 16 : index
      %get3A_169 = tpu.vector_load %arg6[%get3A_167, %get3A_168] {strides = array<i32>} : memref<128x32xf32, #tpu.memory_space<vmem>>, vector<1x16xf32>,
      %get3A_170 = vector.shape_cast %get3A_169 : vector<1x16xf32> to vector<16xf32>
      %lt3A_171 = vector.broadcast %select_n3A_158 : i32 to vector<16xi32>
      %lt3A_172 = arith.cmpi slt, %iota3A, %lt3A_171 : vector<16xi32>
      %lt3A_173 = vector.broadcast %select_n3A_158 : i32 to vector<16xi32>
      %lt3A_174 = arith.cmpi slt, %add3A_5, %lt3A_173 : vector<16xi32>
      %sub3A_175 = arith.subf %get3A_164, %scan3A_14#0 : vector<16xf32>
      %select_n3A_176 = arith.select %lt3A_172, %sub3A_175, %broadcast_in_dim3A_6 : vector<16xi1>, vector<16xf32>
      %exp3A_177 = math.exp %select_n3A_176 : vector<16xf32>
      %sub3A_178 = arith.subf %get3A_170, %scan3A_14#1 : vector<16xf32>
      %select_n3A_179 = arith.select %lt3A_174, %sub3A_178, %broadcast_in_dim3A_6 : vector<16xi1>, vector<16xf32>
      %exp3A_180 = math.exp %select_n3A_179 : vector<16xf32>
      %select_n3A_181 = arith.select %lt3A_172, %exp3A_177, %broadcast_in_dim3A_6 : vector<16xi1>, vector<16xf32>
      %add3A_182 = arith.addf %add3A_148, %select_n3A_181 : vector<16xf32>
      %select_n3A_183 = arith.select %lt3A_174, %exp3A_180, %broadcast_in_dim3A_6 : vector<16xi1>, vector<16xf32>
      %add3A_184 = arith.addf %add3A_150, %select_n3A_183 : vector<16xf32>
      %slice3A_185 = vector.extract_strided_slice %get3A_87 {offsets = [3], sizes = [1], strides = [1]} : vector<16xi32> to vector<1xi32>
      %squeeze3A_186 = vector.extract %slice3A_185[0] : i32 from vector<1xi32>
      %slice3A_187 = vector.extract_strided_slice %get3A_90 {offsets = [3], sizes = [1], strides = [1]} : vector<16xi32> to vector<1xi32>
      %squeeze3A_188 = vector.extract %slice3A_187[0] : i32 from vector<1xi32>
      %eq3A_189 = arith.constant 1 : i32
      %eq3A_190 = arith.cmpi eq, %squeeze3A_188, %eq3A_189 : i32
      %jit3A_191 = arith.constant 32 : i32
      %select_n3A_192 = arith.select %eq3A_190, %jit3A_191, %squeeze3A_186 : i32
      %add3A_193 = arith.constant 3 : i32
      %add3A_194 = arith.addi %mul3A_85, %add3A_193 : i32
      %get3A_195 = arith.index_cast %add3A_194 : i32 to index
      %get3A_196 = arith.constant 0 : index
      %get3A_197 = tpu.vector_load %arg6[%get3A_195, %get3A_196] {strides = array<i32>} : memref<128x32xf32, #tpu.memory_space<vmem>>, vector<1x16xf32>,
      %get3A_198 = vector.shape_cast %get3A_197 : vector<1x16xf32> to vector<16xf32>
      %add3A_199 = arith.constant 3 : i32
      %add3A_200 = arith.addi %mul3A_85, %add3A_199 : i32
      %get3A_201 = arith.index_cast %add3A_200 : i32 to index
      %get3A_202 = arith.constant 16 : index
      %get3A_203 = tpu.vector_load %arg6[%get3A_201, %get3A_202] {strides = array<i32>} : memref<128x32xf32, #tpu.memory_space<vmem>>, vector<1x16xf32>,
      %get3A_204 = vector.shape_cast %get3A_203 : vector<1x16xf32> to vector<16xf32>
      %lt3A_205 = vector.broadcast %select_n3A_192 : i32 to vector<16xi32>
      %lt3A_206 = arith.cmpi slt, %iota3A, %lt3A_205 : vector<16xi32>
      %lt3A_207 = vector.broadcast %select_n3A_192 : i32 to vector<16xi32>
      %lt3A_208 = arith.cmpi slt, %add3A_5, %lt3A_207 : vector<16xi32>
      %sub3A_209 = arith.subf %get3A_198, %scan3A_14#0 : vector<16xf32>
      %select_n3A_210 = arith.select %lt3A_206, %sub3A_209, %broadcast_in_dim3A_6 : vector<16xi1>, vector<16xf32>
      %exp3A_211 = math.exp %select_n3A_210 : vector<16xf32>
      %sub3A_212 = arith.subf %get3A_204, %scan3A_14#1 : vector<16xf32>
      %select_n3A_213 = arith.select %lt3A_208, %sub3A_212, %broadcast_in_dim3A_6 : vector<16xi1>, vector<16xf32>
      %exp3A_214 = math.exp %select_n3A_213 : vector<16xf32>
      %select_n3A_215 = arith.select %lt3A_206, %exp3A_211, %broadcast_in_dim3A_6 : vector<16xi1>, vector<16xf32>
      %add3A_216 = arith.addf %add3A_182, %select_n3A_215 : vector<16xf32>
      %select_n3A_217 = arith.select %lt3A_208, %exp3A_214, %broadcast_in_dim3A_6 : vector<16xi1>, vector<16xf32>
      %add3A_218 = arith.addf %add3A_184, %select_n3A_217 : vector<16xf32>
      %slice3A_219 = vector.extract_strided_slice %get3A_87 {offsets = [4], sizes = [1], strides = [1]} : vector<16xi32> to vector<1xi32>
      %squeeze3A_220 = vector.extract %slice3A_219[0] : i32 from vector<1xi32>
      %slice3A_221 = vector.extract_strided_slice %get3A_90 {offsets = [4], sizes = [1], strides = [1]} : vector<16xi32> to vector<1xi32>
      %squeeze3A_222 = vector.extract %slice3A_221[0] : i32 from vector<1xi32>
      %eq3A_223 = arith.constant 1 : i32
      %eq3A_224 = arith.cmpi eq, %squeeze3A_222, %eq3A_223 : i32
      %jit3A_225 = arith.constant 32 : i32
      %select_n3A_226 = arith.select %eq3A_224, %jit3A_225, %squeeze3A_220 : i32
      %add3A_227 = arith.constant 4 : i32
      %add3A_228 = arith.addi %mul3A_85, %add3A_227 : i32
      %get3A_229 = arith.index_cast %add3A_228 : i32 to index
      %get3A_230 = arith.constant 0 : index
      %get3A_231 = tpu.vector_load %arg6[%get3A_229, %get3A_230] {strides = array<i32>} : memref<128x32xf32, #tpu.memory_space<vmem>>, vector<1x16xf32>,
      %get3A_232 = vector.shape_cast %get3A_231 : vector<1x16xf32> to vector<16xf32>
      %add3A_233 = arith.constant 4 : i32
      %add3A_234 = arith.addi %mul3A_85, %add3A_233 : i32
      %get3A_235 = arith.index_cast %add3A_234 : i32 to index
      %get3A_236 = arith.constant 16 : index
      %get3A_237 = tpu.vector_load %arg6[%get3A_235, %get3A_236] {strides = array<i32>} : memref<128x32xf32, #tpu.memory_space<vmem>>, vector<1x16xf32>,
      %get3A_238 = vector.shape_cast %get3A_237 : vector<1x16xf32> to vector<16xf32>
      %lt3A_239 = vector.broadcast %select_n3A_226 : i32 to vector<16xi32>
      %lt3A_240 = arith.cmpi slt, %iota3A, %lt3A_239 : vector<16xi32>
      %lt3A_241 = vector.broadcast %select_n3A_226 : i32 to vector<16xi32>
      %lt3A_242 = arith.cmpi slt, %add3A_5, %lt3A_241 : vector<16xi32>
      %sub3A_243 = arith.subf %get3A_232, %scan3A_14#0 : vector<16xf32>
      %select_n3A_244 = arith.select %lt3A_240, %sub3A_243, %broadcast_in_dim3A_6 : vector<16xi1>, vector<16xf32>
      %exp3A_245 = math.exp %select_n3A_244 : vector<16xf32>
      %sub3A_246 = arith.subf %get3A_238, %scan3A_14#1 : vector<16xf32>
      %select_n3A_247 = arith.select %lt3A_242, %sub3A_246, %broadcast_in_dim3A_6 : vector<16xi1>, vector<16xf32>
      %exp3A_248 = math.exp %select_n3A_247 : vector<16xf32>
      %select_n3A_249 = arith.select %lt3A_240, %exp3A_245, %broadcast_in_dim3A_6 : vector<16xi1>, vector<16xf32>
      %add3A_250 = arith.addf %add3A_216, %select_n3A_249 : vector<16xf32>
      %select_n3A_251 = arith.select %lt3A_242, %exp3A_248, %broadcast_in_dim3A_6 : vector<16xi1>, vector<16xf32>
      %add3A_252 = arith.addf %add3A_218, %select_n3A_251 : vector<16xf32>
      %slice3A_253 = vector.extract_strided_slice %get3A_87 {offsets = [5], sizes = [1], strides = [1]} : vector<16xi32> to vector<1xi32>
      %squeeze3A_254 = vector.extract %slice3A_253[0] : i32 from vector<1xi32>
      %slice3A_255 = vector.extract_strided_slice %get3A_90 {offsets = [5], sizes = [1], strides = [1]} : vector<16xi32> to vector<1xi32>
      %squeeze3A_256 = vector.extract %slice3A_255[0] : i32 from vector<1xi32>
      %eq3A_257 = arith.constant 1 : i32
      %eq3A_258 = arith.cmpi eq, %squeeze3A_256, %eq3A_257 : i32
      %jit3A_259 = arith.constant 32 : i32
      %select_n3A_260 = arith.select %eq3A_258, %jit3A_259, %squeeze3A_254 : i32
      %add3A_261 = arith.constant 5 : i32
      %add3A_262 = arith.addi %mul3A_85, %add3A_261 : i32
      %get3A_263 = arith.index_cast %add3A_262 : i32 to index
      %get3A_264 = arith.constant 0 : index
      %get3A_265 = tpu.vector_load %arg6[%get3A_263, %get3A_264] {strides = array<i32>} : memref<128x32xf32, #tpu.memory_space<vmem>>, vector<1x16xf32>,
      %get3A_266 = vector.shape_cast %get3A_265 : vector<1x16xf32> to vector<16xf32>
      %add3A_267 = arith.constant 5 : i32
      %add3A_268 = arith.addi %mul3A_85, %add3A_267 : i32
      %get3A_269 = arith.index_cast %add3A_268 : i32 to index
      %get3A_270 = arith.constant 16 : index
      %get3A_271 = tpu.vector_load %arg6[%get3A_269, %get3A_270] {strides = array<i32>} : memref<128x32xf32, #tpu.memory_space<vmem>>, vector<1x16xf32>,
      %get3A_272 = vector.shape_cast %get3A_271 : vector<1x16xf32> to vector<16xf32>
      %lt3A_273 = vector.broadcast %select_n3A_260 : i32 to vector<16xi32>
      %lt3A_274 = arith.cmpi slt, %iota3A, %lt3A_273 : vector<16xi32>
      %lt3A_275 = vector.broadcast %select_n3A_260 : i32 to vector<16xi32>
      %lt3A_276 = arith.cmpi slt, %add3A_5, %lt3A_275 : vector<16xi32>
      %sub3A_277 = arith.subf %get3A_266, %scan3A_14#0 : vector<16xf32>
      %select_n3A_278 = arith.select %lt3A_274, %sub3A_277, %broadcast_in_dim3A_6 : vector<16xi1>, vector<16xf32>
      %exp3A_279 = math.exp %select_n3A_278 : vector<16xf32>
      %sub3A_280 = arith.subf %get3A_272, %scan3A_14#1 : vector<16xf32>
      %select_n3A_281 = arith.select %lt3A_276, %sub3A_280, %broadcast_in_dim3A_6 : vector<16xi1>, vector<16xf32>
      %exp3A_282 = math.exp %select_n3A_281 : vector<16xf32>
      %select_n3A_283 = arith.select %lt3A_274, %exp3A_279, %broadcast_in_dim3A_6 : vector<16xi1>, vector<16xf32>
      %add3A_284 = arith.addf %add3A_250, %select_n3A_283 : vector<16xf32>
      %select_n3A_285 = arith.select %lt3A_276, %exp3A_282, %broadcast_in_dim3A_6 : vector<16xi1>, vector<16xf32>
      %add3A_286 = arith.addf %add3A_252, %select_n3A_285 : vector<16xf32>
      %slice3A_287 = vector.extract_strided_slice %get3A_87 {offsets = [6], sizes = [1], strides = [1]} : vector<16xi32> to vector<1xi32>
      %squeeze3A_288 = vector.extract %slice3A_287[0] : i32 from vector<1xi32>
      %slice3A_289 = vector.extract_strided_slice %get3A_90 {offsets = [6], sizes = [1], strides = [1]} : vector<16xi32> to vector<1xi32>
      %squeeze3A_290 = vector.extract %slice3A_289[0] : i32 from vector<1xi32>
      %eq3A_291 = arith.constant 1 : i32
      %eq3A_292 = arith.cmpi eq, %squeeze3A_290, %eq3A_291 : i32
      %jit3A_293 = arith.constant 32 : i32
      %select_n3A_294 = arith.select %eq3A_292, %jit3A_293, %squeeze3A_288 : i32
      %add3A_295 = arith.constant 6 : i32
      %add3A_296 = arith.addi %mul3A_85, %add3A_295 : i32
      %get3A_297 = arith.index_cast %add3A_296 : i32 to index
      %get3A_298 = arith.constant 0 : index
      %get3A_299 = tpu.vector_load %arg6[%get3A_297, %get3A_298] {strides = array<i32>} : memref<128x32xf32, #tpu.memory_space<vmem>>, vector<1x16xf32>,
      %get3A_300 = vector.shape_cast %get3A_299 : vector<1x16xf32> to vector<16xf32>
      %add3A_301 = arith.constant 6 : i32
      %add3A_302 = arith.addi %mul3A_85, %add3A_301 : i32
      %get3A_303 = arith.index_cast %add3A_302 : i32 to index
      %get3A_304 = arith.constant 16 : index
      %get3A_305 = tpu.vector_load %arg6[%get3A_303, %get3A_304] {strides = array<i32>} : memref<128x32xf32, #tpu.memory_space<vmem>>, vector<1x16xf32>,
      %get3A_306 = vector.shape_cast %get3A_305 : vector<1x16xf32> to vector<16xf32>
      %lt3A_307 = vector.broadcast %select_n3A_294 : i32 to vector<16xi32>
      %lt3A_308 = arith.cmpi slt, %iota3A, %lt3A_307 : vector<16xi32>
      %lt3A_309 = vector.broadcast %select_n3A_294 : i32 to vector<16xi32>
      %lt3A_310 = arith.cmpi slt, %add3A_5, %lt3A_309 : vector<16xi32>
      %sub3A_311 = arith.subf %get3A_300, %scan3A_14#0 : vector<16xf32>
      %select_n3A_312 = arith.select %lt3A_308, %sub3A_311, %broadcast_in_dim3A_6 : vector<16xi1>, vector<16xf32>
      %exp3A_313 = math.exp %select_n3A_312 : vector<16xf32>
      %sub3A_314 = arith.subf %get3A_306, %scan3A_14#1 : vector<16xf32>
      %select_n3A_315 = arith.select %lt3A_310, %sub3A_314, %broadcast_in_dim3A_6 : vector<16xi1>, vector<16xf32>
      %exp3A_316 = math.exp %select_n3A_315 : vector<16xf32>
      %select_n3A_317 = arith.select %lt3A_308, %exp3A_313, %broadcast_in_dim3A_6 : vector<16xi1>, vector<16xf32>
      %add3A_318 = arith.addf %add3A_284, %select_n3A_317 : vector<16xf32>
      %select_n3A_319 = arith.select %lt3A_310, %exp3A_316, %broadcast_in_dim3A_6 : vector<16xi1>, vector<16xf32>
      %add3A_320 = arith.addf %add3A_286, %select_n3A_319 : vector<16xf32>
      %slice3A_321 = vector.extract_strided_slice %get3A_87 {offsets = [7], sizes = [1], strides = [1]} : vector<16xi32> to vector<1xi32>
      %squeeze3A_322 = vector.extract %slice3A_321[0] : i32 from vector<1xi32>
      %slice3A_323 = vector.extract_strided_slice %get3A_90 {offsets = [7], sizes = [1], strides = [1]} : vector<16xi32> to vector<1xi32>
      %squeeze3A_324 = vector.extract %slice3A_323[0] : i32 from vector<1xi32>
      %eq3A_325 = arith.constant 1 : i32
      %eq3A_326 = arith.cmpi eq, %squeeze3A_324, %eq3A_325 : i32
      %jit3A_327 = arith.constant 32 : i32
      %select_n3A_328 = arith.select %eq3A_326, %jit3A_327, %squeeze3A_322 : i32
      %add3A_329 = arith.constant 7 : i32
      %add3A_330 = arith.addi %mul3A_85, %add3A_329 : i32
      %get3A_331 = arith.index_cast %add3A_330 : i32 to index
      %get3A_332 = arith.constant 0 : index
      %get3A_333 = tpu.vector_load %arg6[%get3A_331, %get3A_332] {strides = array<i32>} : memref<128x32xf32, #tpu.memory_space<vmem>>, vector<1x16xf32>,
      %get3A_334 = vector.shape_cast %get3A_333 : vector<1x16xf32> to vector<16xf32>
      %add3A_335 = arith.constant 7 : i32
      %add3A_336 = arith.addi %mul3A_85, %add3A_335 : i32
      %get3A_337 = arith.index_cast %add3A_336 : i32 to index
      %get3A_338 = arith.constant 16 : index
      %get3A_339 = tpu.vector_load %arg6[%get3A_337, %get3A_338] {strides = array<i32>} : memref<128x32xf32, #tpu.memory_space<vmem>>, vector<1x16xf32>,
      %get3A_340 = vector.shape_cast %get3A_339 : vector<1x16xf32> to vector<16xf32>
      %lt3A_341 = vector.broadcast %select_n3A_328 : i32 to vector<16xi32>
      %lt3A_342 = arith.cmpi slt, %iota3A, %lt3A_341 : vector<16xi32>
      %lt3A_343 = vector.broadcast %select_n3A_328 : i32 to vector<16xi32>
      %lt3A_344 = arith.cmpi slt, %add3A_5, %lt3A_343 : vector<16xi32>
      %sub3A_345 = arith.subf %get3A_334, %scan3A_14#0 : vector<16xf32>
      %select_n3A_346 = arith.select %lt3A_342, %sub3A_345, %broadcast_in_dim3A_6 : vector<16xi1>, vector<16xf32>
      %exp3A_347 = math.exp %select_n3A_346 : vector<16xf32>
      %sub3A_348 = arith.subf %get3A_340, %scan3A_14#1 : vector<16xf32>
      %select_n3A_349 = arith.select %lt3A_344, %sub3A_348, %broadcast_in_dim3A_6 : vector<16xi1>, vector<16xf32>
      %exp3A_350 = math.exp %select_n3A_349 : vector<16xf32>
      %select_n3A_351 = arith.select %lt3A_342, %exp3A_347, %broadcast_in_dim3A_6 : vector<16xi1>, vector<16xf32>
      %add3A_352 = arith.addf %add3A_318, %select_n3A_351 : vector<16xf32>
      %select_n3A_353 = arith.select %lt3A_344, %exp3A_350, %broadcast_in_dim3A_6 : vector<16xi1>, vector<16xf32>
      %add3A_354 = arith.addf %add3A_320, %select_n3A_353 : vector<16xf32>
      %slice3A_355 = vector.extract_strided_slice %get3A_87 {offsets = [8], sizes = [1], strides = [1]} : vector<16xi32> to vector<1xi32>
      %squeeze3A_356 = vector.extract %slice3A_355[0] : i32 from vector<1xi32>
      %slice3A_357 = vector.extract_strided_slice %get3A_90 {offsets = [8], sizes = [1], strides = [1]} : vector<16xi32> to vector<1xi32>
      %squeeze3A_358 = vector.extract %slice3A_357[0] : i32 from vector<1xi32>
      %eq3A_359 = arith.constant 1 : i32
      %eq3A_360 = arith.cmpi eq, %squeeze3A_358, %eq3A_359 : i32
      %jit3A_361 = arith.constant 32 : i32
      %select_n3A_362 = arith.select %eq3A_360, %jit3A_361, %squeeze3A_356 : i32
      %add3A_363 = arith.constant 8 : i32
      %add3A_364 = arith.addi %mul3A_85, %add3A_363 : i32
      %get3A_365 = arith.index_cast %add3A_364 : i32 to index
      %get3A_366 = arith.constant 0 : index
      %get3A_367 = tpu.vector_load %arg6[%get3A_365, %get3A_366] {strides = array<i32>} : memref<128x32xf32, #tpu.memory_space<vmem>>, vector<1x16xf32>,
      %get3A_368 = vector.shape_cast %get3A_367 : vector<1x16xf32> to vector<16xf32>
      %add3A_369 = arith.constant 8 : i32
      %add3A_370 = arith.addi %mul3A_85, %add3A_369 : i32
      %get3A_371 = arith.index_cast %add3A_370 : i32 to index
      %get3A_372 = arith.constant 16 : index
      %get3A_373 = tpu.vector_load %arg6[%get3A_371, %get3A_372] {strides = array<i32>} : memref<128x32xf32, #tpu.memory_space<vmem>>, vector<1x16xf32>,
      %get3A_374 = vector.shape_cast %get3A_373 : vector<1x16xf32> to vector<16xf32>
      %lt3A_375 = vector.broadcast %select_n3A_362 : i32 to vector<16xi32>
      %lt3A_376 = arith.cmpi slt, %iota3A, %lt3A_375 : vector<16xi32>
      %lt3A_377 = vector.broadcast %select_n3A_362 : i32 to vector<16xi32>
      %lt3A_378 = arith.cmpi slt, %add3A_5, %lt3A_377 : vector<16xi32>
      %sub3A_379 = arith.subf %get3A_368, %scan3A_14#0 : vector<16xf32>
      %select_n3A_380 = arith.select %lt3A_376, %sub3A_379, %broadcast_in_dim3A_6 : vector<16xi1>, vector<16xf32>
      %exp3A_381 = math.exp %select_n3A_380 : vector<16xf32>
      %sub3A_382 = arith.subf %get3A_374, %scan3A_14#1 : vector<16xf32>
      %select_n3A_383 = arith.select %lt3A_378, %sub3A_382, %broadcast_in_dim3A_6 : vector<16xi1>, vector<16xf32>
      %exp3A_384 = math.exp %select_n3A_383 : vector<16xf32>
      %select_n3A_385 = arith.select %lt3A_376, %exp3A_381, %broadcast_in_dim3A_6 : vector<16xi1>, vector<16xf32>
      %add3A_386 = arith.addf %add3A_352, %select_n3A_385 : vector<16xf32>
      %select_n3A_387 = arith.select %lt3A_378, %exp3A_384, %broadcast_in_dim3A_6 : vector<16xi1>, vector<16xf32>
      %add3A_388 = arith.addf %add3A_354, %select_n3A_387 : vector<16xf32>
      %slice3A_389 = vector.extract_strided_slice %get3A_87 {offsets = [9], sizes = [1], strides = [1]} : vector<16xi32> to vector<1xi32>
      %squeeze3A_390 = vector.extract %slice3A_389[0] : i32 from vector<1xi32>
      %slice3A_391 = vector.extract_strided_slice %get3A_90 {offsets = [9], sizes = [1], strides = [1]} : vector<16xi32> to vector<1xi32>
      %squeeze3A_392 = vector.extract %slice3A_391[0] : i32 from vector<1xi32>
      %eq3A_393 = arith.constant 1 : i32
      %eq3A_394 = arith.cmpi eq, %squeeze3A_392, %eq3A_393 : i32
      %jit3A_395 = arith.constant 32 : i32
      %select_n3A_396 = arith.select %eq3A_394, %jit3A_395, %squeeze3A_390 : i32
      %add3A_397 = arith.constant 9 : i32
      %add3A_398 = arith.addi %mul3A_85, %add3A_397 : i32
      %get3A_399 = arith.index_cast %add3A_398 : i32 to index
      %get3A_400 = arith.constant 0 : index
      %get3A_401 = tpu.vector_load %arg6[%get3A_399, %get3A_400] {strides = array<i32>} : memref<128x32xf32, #tpu.memory_space<vmem>>, vector<1x16xf32>,
      %get3A_402 = vector.shape_cast %get3A_401 : vector<1x16xf32> to vector<16xf32>
      %add3A_403 = arith.constant 9 : i32
      %add3A_404 = arith.addi %mul3A_85, %add3A_403 : i32
      %get3A_405 = arith.index_cast %add3A_404 : i32 to index
      %get3A_406 = arith.constant 16 : index
      %get3A_407 = tpu.vector_load %arg6[%get3A_405, %get3A_406] {strides = array<i32>} : memref<128x32xf32, #tpu.memory_space<vmem>>, vector<1x16xf32>,
      %get3A_408 = vector.shape_cast %get3A_407 : vector<1x16xf32> to vector<16xf32>
      %lt3A_409 = vector.broadcast %select_n3A_396 : i32 to vector<16xi32>
      %lt3A_410 = arith.cmpi slt, %iota3A, %lt3A_409 : vector<16xi32>
      %lt3A_411 = vector.broadcast %select_n3A_396 : i32 to vector<16xi32>
      %lt3A_412 = arith.cmpi slt, %add3A_5, %lt3A_411 : vector<16xi32>
      %sub3A_413 = arith.subf %get3A_402, %scan3A_14#0 : vector<16xf32>
      %select_n3A_414 = arith.select %lt3A_410, %sub3A_413, %broadcast_in_dim3A_6 : vector<16xi1>, vector<16xf32>
      %exp3A_415 = math.exp %select_n3A_414 : vector<16xf32>
      %sub3A_416 = arith.subf %get3A_408, %scan3A_14#1 : vector<16xf32>
      %select_n3A_417 = arith.select %lt3A_412, %sub3A_416, %broadcast_in_dim3A_6 : vector<16xi1>, vector<16xf32>
      %exp3A_418 = math.exp %select_n3A_417 : vector<16xf32>
      %select_n3A_419 = arith.select %lt3A_410, %exp3A_415, %broadcast_in_dim3A_6 : vector<16xi1>, vector<16xf32>
      %add3A_420 = arith.addf %add3A_386, %select_n3A_419 : vector<16xf32>
      %select_n3A_421 = arith.select %lt3A_412, %exp3A_418, %broadcast_in_dim3A_6 : vector<16xi1>, vector<16xf32>
      %add3A_422 = arith.addf %add3A_388, %select_n3A_421 : vector<16xf32>
      %slice3A_423 = vector.extract_strided_slice %get3A_87 {offsets = [10], sizes = [1], strides = [1]} : vector<16xi32> to vector<1xi32>
      %squeeze3A_424 = vector.extract %slice3A_423[0] : i32 from vector<1xi32>
      %slice3A_425 = vector.extract_strided_slice %get3A_90 {offsets = [10], sizes = [1], strides = [1]} : vector<16xi32> to vector<1xi32>
      %squeeze3A_426 = vector.extract %slice3A_425[0] : i32 from vector<1xi32>
      %eq3A_427 = arith.constant 1 : i32
      %eq3A_428 = arith.cmpi eq, %squeeze3A_426, %eq3A_427 : i32
      %jit3A_429 = arith.constant 32 : i32
      %select_n3A_430 = arith.select %eq3A_428, %jit3A_429, %squeeze3A_424 : i32
      %add3A_431 = arith.constant 10 : i32
      %add3A_432 = arith.addi %mul3A_85, %add3A_431 : i32
      %get3A_433 = arith.index_cast %add3A_432 : i32 to index
      %get3A_434 = arith.constant 0 : index
      %get3A_435 = tpu.vector_load %arg6[%get3A_433, %get3A_434] {strides = array<i32>} : memref<128x32xf32, #tpu.memory_space<vmem>>, vector<1x16xf32>,
      %get3A_436 = vector.shape_cast %get3A_435 : vector<1x16xf32> to vector<16xf32>
      %add3A_437 = arith.constant 10 : i32
      %add3A_438 = arith.addi %mul3A_85, %add3A_437 : i32
      %get3A_439 = arith.index_cast %add3A_438 : i32 to index
      %get3A_440 = arith.constant 16 : index
      %get3A_441 = tpu.vector_load %arg6[%get3A_439, %get3A_440] {strides = array<i32>} : memref<128x32xf32, #tpu.memory_space<vmem>>, vector<1x16xf32>,
      %get3A_442 = vector.shape_cast %get3A_441 : vector<1x16xf32> to vector<16xf32>
      %lt3A_443 = vector.broadcast %select_n3A_430 : i32 to vector<16xi32>
      %lt3A_444 = arith.cmpi slt, %iota3A, %lt3A_443 : vector<16xi32>
      %lt3A_445 = vector.broadcast %select_n3A_430 : i32 to vector<16xi32>
      %lt3A_446 = arith.cmpi slt, %add3A_5, %lt3A_445 : vector<16xi32>
      %sub3A_447 = arith.subf %get3A_436, %scan3A_14#0 : vector<16xf32>
      %select_n3A_448 = arith.select %lt3A_444, %sub3A_447, %broadcast_in_dim3A_6 : vector<16xi1>, vector<16xf32>
      %exp3A_449 = math.exp %select_n3A_448 : vector<16xf32>
      %sub3A_450 = arith.subf %get3A_442, %scan3A_14#1 : vector<16xf32>
      %select_n3A_451 = arith.select %lt3A_446, %sub3A_450, %broadcast_in_dim3A_6 : vector<16xi1>, vector<16xf32>
      %exp3A_452 = math.exp %select_n3A_451 : vector<16xf32>
      %select_n3A_453 = arith.select %lt3A_444, %exp3A_449, %broadcast_in_dim3A_6 : vector<16xi1>, vector<16xf32>
      %add3A_454 = arith.addf %add3A_420, %select_n3A_453 : vector<16xf32>
      %select_n3A_455 = arith.select %lt3A_446, %exp3A_452, %broadcast_in_dim3A_6 : vector<16xi1>, vector<16xf32>
      %add3A_456 = arith.addf %add3A_422, %select_n3A_455 : vector<16xf32>
      %slice3A_457 = vector.extract_strided_slice %get3A_87 {offsets = [11], sizes = [1], strides = [1]} : vector<16xi32> to vector<1xi32>
      %squeeze3A_458 = vector.extract %slice3A_457[0] : i32 from vector<1xi32>
      %slice3A_459 = vector.extract_strided_slice %get3A_90 {offsets = [11], sizes = [1], strides = [1]} : vector<16xi32> to vector<1xi32>
      %squeeze3A_460 = vector.extract %slice3A_459[0] : i32 from vector<1xi32>
      %eq3A_461 = arith.constant 1 : i32
      %eq3A_462 = arith.cmpi eq, %squeeze3A_460, %eq3A_461 : i32
      %jit3A_463 = arith.constant 32 : i32
      %select_n3A_464 = arith.select %eq3A_462, %jit3A_463, %squeeze3A_458 : i32
      %add3A_465 = arith.constant 11 : i32
      %add3A_466 = arith.addi %mul3A_85, %add3A_465 : i32
      %get3A_467 = arith.index_cast %add3A_466 : i32 to index
      %get3A_468 = arith.constant 0 : index
      %get3A_469 = tpu.vector_load %arg6[%get3A_467, %get3A_468] {strides = array<i32>} : memref<128x32xf32, #tpu.memory_space<vmem>>, vector<1x16xf32>,
      %get3A_470 = vector.shape_cast %get3A_469 : vector<1x16xf32> to vector<16xf32>
      %add3A_471 = arith.constant 11 : i32
      %add3A_472 = arith.addi %mul3A_85, %add3A_471 : i32
      %get3A_473 = arith.index_cast %add3A_472 : i32 to index
      %get3A_474 = arith.constant 16 : index
      %get3A_475 = tpu.vector_load %arg6[%get3A_473, %get3A_474] {strides = array<i32>} : memref<128x32xf32, #tpu.memory_space<vmem>>, vector<1x16xf32>,
      %get3A_476 = vector.shape_cast %get3A_475 : vector<1x16xf32> to vector<16xf32>
      %lt3A_477 = vector.broadcast %select_n3A_464 : i32 to vector<16xi32>
      %lt3A_478 = arith.cmpi slt, %iota3A, %lt3A_477 : vector<16xi32>
      %lt3A_479 = vector.broadcast %select_n3A_464 : i32 to vector<16xi32>
      %lt3A_480 = arith.cmpi slt, %add3A_5, %lt3A_479 : vector<16xi32>
      %sub3A_481 = arith.subf %get3A_470, %scan3A_14#0 : vector<16xf32>
      %select_n3A_482 = arith.select %lt3A_478, %sub3A_481, %broadcast_in_dim3A_6 : vector<16xi1>, vector<16xf32>
      %exp3A_483 = math.exp %select_n3A_482 : vector<16xf32>
      %sub3A_484 = arith.subf %get3A_476, %scan3A_14#1 : vector<16xf32>
      %select_n3A_485 = arith.select %lt3A_480, %sub3A_484, %broadcast_in_dim3A_6 : vector<16xi1>, vector<16xf32>
      %exp3A_486 = math.exp %select_n3A_485 : vector<16xf32>
      %select_n3A_487 = arith.select %lt3A_478, %exp3A_483, %broadcast_in_dim3A_6 : vector<16xi1>, vector<16xf32>
      %add3A_488 = arith.addf %add3A_454, %select_n3A_487 : vector<16xf32>
      %select_n3A_489 = arith.select %lt3A_480, %exp3A_486, %broadcast_in_dim3A_6 : vector<16xi1>, vector<16xf32>
      %add3A_490 = arith.addf %add3A_456, %select_n3A_489 : vector<16xf32>
      %slice3A_491 = vector.extract_strided_slice %get3A_87 {offsets = [12], sizes = [1], strides = [1]} : vector<16xi32> to vector<1xi32>
      %squeeze3A_492 = vector.extract %slice3A_491[0] : i32 from vector<1xi32>
      %slice3A_493 = vector.extract_strided_slice %get3A_90 {offsets = [12], sizes = [1], strides = [1]} : vector<16xi32> to vector<1xi32>
      %squeeze3A_494 = vector.extract %slice3A_493[0] : i32 from vector<1xi32>
      %eq3A_495 = arith.constant 1 : i32
      %eq3A_496 = arith.cmpi eq, %squeeze3A_494, %eq3A_495 : i32
      %jit3A_497 = arith.constant 32 : i32
      %select_n3A_498 = arith.select %eq3A_496, %jit3A_497, %squeeze3A_492 : i32
      %add3A_499 = arith.constant 12 : i32
      %add3A_500 = arith.addi %mul3A_85, %add3A_499 : i32
      %get3A_501 = arith.index_cast %add3A_500 : i32 to index
      %get3A_502 = arith.constant 0 : index
      %get3A_503 = tpu.vector_load %arg6[%get3A_501, %get3A_502] {strides = array<i32>} : memref<128x32xf32, #tpu.memory_space<vmem>>, vector<1x16xf32>,
      %get3A_504 = vector.shape_cast %get3A_503 : vector<1x16xf32> to vector<16xf32>
      %add3A_505 = arith.constant 12 : i32
      %add3A_506 = arith.addi %mul3A_85, %add3A_505 : i32
      %get3A_507 = arith.index_cast %add3A_506 : i32 to index
      %get3A_508 = arith.constant 16 : index
      %get3A_509 = tpu.vector_load %arg6[%get3A_507, %get3A_508] {strides = array<i32>} : memref<128x32xf32, #tpu.memory_space<vmem>>, vector<1x16xf32>,
      %get3A_510 = vector.shape_cast %get3A_509 : vector<1x16xf32> to vector<16xf32>
      %lt3A_511 = vector.broadcast %select_n3A_498 : i32 to vector<16xi32>
      %lt3A_512 = arith.cmpi slt, %iota3A, %lt3A_511 : vector<16xi32>
      %lt3A_513 = vector.broadcast %select_n3A_498 : i32 to vector<16xi32>
      %lt3A_514 = arith.cmpi slt, %add3A_5, %lt3A_513 : vector<16xi32>
      %sub3A_515 = arith.subf %get3A_504, %scan3A_14#0 : vector<16xf32>
      %select_n3A_516 = arith.select %lt3A_512, %sub3A_515, %broadcast_in_dim3A_6 : vector<16xi1>, vector<16xf32>
      %exp3A_517 = math.exp %select_n3A_516 : vector<16xf32>
      %sub3A_518 = arith.subf %get3A_510, %scan3A_14#1 : vector<16xf32>
      %select_n3A_519 = arith.select %lt3A_514, %sub3A_518, %broadcast_in_dim3A_6 : vector<16xi1>, vector<16xf32>
      %exp3A_520 = math.exp %select_n3A_519 : vector<16xf32>
      %select_n3A_521 = arith.select %lt3A_512, %exp3A_517, %broadcast_in_dim3A_6 : vector<16xi1>, vector<16xf32>
      %add3A_522 = arith.addf %add3A_488, %select_n3A_521 : vector<16xf32>
      %select_n3A_523 = arith.select %lt3A_514, %exp3A_520, %broadcast_in_dim3A_6 : vector<16xi1>, vector<16xf32>
      %add3A_524 = arith.addf %add3A_490, %select_n3A_523 : vector<16xf32>
      %slice3A_525 = vector.extract_strided_slice %get3A_87 {offsets = [13], sizes = [1], strides = [1]} : vector<16xi32> to vector<1xi32>
      %squeeze3A_526 = vector.extract %slice3A_525[0] : i32 from vector<1xi32>
      %slice3A_527 = vector.extract_strided_slice %get3A_90 {offsets = [13], sizes = [1], strides = [1]} : vector<16xi32> to vector<1xi32>
      %squeeze3A_528 = vector.extract %slice3A_527[0] : i32 from vector<1xi32>
      %eq3A_529 = arith.constant 1 : i32
      %eq3A_530 = arith.cmpi eq, %squeeze3A_528, %eq3A_529 : i32
      %jit3A_531 = arith.constant 32 : i32
      %select_n3A_532 = arith.select %eq3A_530, %jit3A_531, %squeeze3A_526 : i32
      %add3A_533 = arith.constant 13 : i32
      %add3A_534 = arith.addi %mul3A_85, %add3A_533 : i32
      %get3A_535 = arith.index_cast %add3A_534 : i32 to index
      %get3A_536 = arith.constant 0 : index
      %get3A_537 = tpu.vector_load %arg6[%get3A_535, %get3A_536] {strides = array<i32>} : memref<128x32xf32, #tpu.memory_space<vmem>>, vector<1x16xf32>,
      %get3A_538 = vector.shape_cast %get3A_537 : vector<1x16xf32> to vector<16xf32>
      %add3A_539 = arith.constant 13 : i32
      %add3A_540 = arith.addi %mul3A_85, %add3A_539 : i32
      %get3A_541 = arith.index_cast %add3A_540 : i32 to index
      %get3A_542 = arith.constant 16 : index
      %get3A_543 = tpu.vector_load %arg6[%get3A_541, %get3A_542] {strides = array<i32>} : memref<128x32xf32, #tpu.memory_space<vmem>>, vector<1x16xf32>,
      %get3A_544 = vector.shape_cast %get3A_543 : vector<1x16xf32> to vector<16xf32>
      %lt3A_545 = vector.broadcast %select_n3A_532 : i32 to vector<16xi32>
      %lt3A_546 = arith.cmpi slt, %iota3A, %lt3A_545 : vector<16xi32>
      %lt3A_547 = vector.broadcast %select_n3A_532 : i32 to vector<16xi32>
      %lt3A_548 = arith.cmpi slt, %add3A_5, %lt3A_547 : vector<16xi32>
      %sub3A_549 = arith.subf %get3A_538, %scan3A_14#0 : vector<16xf32>
      %select_n3A_550 = arith.select %lt3A_546, %sub3A_549, %broadcast_in_dim3A_6 : vector<16xi1>, vector<16xf32>
      %exp3A_551 = math.exp %select_n3A_550 : vector<16xf32>
      %sub3A_552 = arith.subf %get3A_544, %scan3A_14#1 : vector<16xf32>
      %select_n3A_553 = arith.select %lt3A_548, %sub3A_552, %broadcast_in_dim3A_6 : vector<16xi1>, vector<16xf32>
      %exp3A_554 = math.exp %select_n3A_553 : vector<16xf32>
      %select_n3A_555 = arith.select %lt3A_546, %exp3A_551, %broadcast_in_dim3A_6 : vector<16xi1>, vector<16xf32>
      %add3A_556 = arith.addf %add3A_522, %select_n3A_555 : vector<16xf32>
      %select_n3A_557 = arith.select %lt3A_548, %exp3A_554, %broadcast_in_dim3A_6 : vector<16xi1>, vector<16xf32>
      %add3A_558 = arith.addf %add3A_524, %select_n3A_557 : vector<16xf32>
      %slice3A_559 = vector.extract_strided_slice %get3A_87 {offsets = [14], sizes = [1], strides = [1]} : vector<16xi32> to vector<1xi32>
      %squeeze3A_560 = vector.extract %slice3A_559[0] : i32 from vector<1xi32>
      %slice3A_561 = vector.extract_strided_slice %get3A_90 {offsets = [14], sizes = [1], strides = [1]} : vector<16xi32> to vector<1xi32>
      %squeeze3A_562 = vector.extract %slice3A_561[0] : i32 from vector<1xi32>
      %eq3A_563 = arith.constant 1 : i32
      %eq3A_564 = arith.cmpi eq, %squeeze3A_562, %eq3A_563 : i32
      %jit3A_565 = arith.constant 32 : i32
      %select_n3A_566 = arith.select %eq3A_564, %jit3A_565, %squeeze3A_560 : i32
      %add3A_567 = arith.constant 14 : i32
      %add3A_568 = arith.addi %mul3A_85, %add3A_567 : i32
      %get3A_569 = arith.index_cast %add3A_568 : i32 to index
      %get3A_570 = arith.constant 0 : index
      %get3A_571 = tpu.vector_load %arg6[%get3A_569, %get3A_570] {strides = array<i32>} : memref<128x32xf32, #tpu.memory_space<vmem>>, vector<1x16xf32>,
      %get3A_572 = vector.shape_cast %get3A_571 : vector<1x16xf32> to vector<16xf32>
      %add3A_573 = arith.constant 14 : i32
      %add3A_574 = arith.addi %mul3A_85, %add3A_573 : i32
      %get3A_575 = arith.index_cast %add3A_574 : i32 to index
      %get3A_576 = arith.constant 16 : index
      %get3A_577 = tpu.vector_load %arg6[%get3A_575, %get3A_576] {strides = array<i32>} : memref<128x32xf32, #tpu.memory_space<vmem>>, vector<1x16xf32>,
      %get3A_578 = vector.shape_cast %get3A_577 : vector<1x16xf32> to vector<16xf32>
      %lt3A_579 = vector.broadcast %select_n3A_566 : i32 to vector<16xi32>
      %lt3A_580 = arith.cmpi slt, %iota3A, %lt3A_579 : vector<16xi32>
      %lt3A_581 = vector.broadcast %select_n3A_566 : i32 to vector<16xi32>
      %lt3A_582 = arith.cmpi slt, %add3A_5, %lt3A_581 : vector<16xi32>
      %sub3A_583 = arith.subf %get3A_572, %scan3A_14#0 : vector<16xf32>
      %select_n3A_584 = arith.select %lt3A_580, %sub3A_583, %broadcast_in_dim3A_6 : vector<16xi1>, vector<16xf32>
      %exp3A_585 = math.exp %select_n3A_584 : vector<16xf32>
      %sub3A_586 = arith.subf %get3A_578, %scan3A_14#1 : vector<16xf32>
      %select_n3A_587 = arith.select %lt3A_582, %sub3A_586, %broadcast_in_dim3A_6 : vector<16xi1>, vector<16xf32>
      %exp3A_588 = math.exp %select_n3A_587 : vector<16xf32>
      %select_n3A_589 = arith.select %lt3A_580, %exp3A_585, %broadcast_in_dim3A_6 : vector<16xi1>, vector<16xf32>
      %add3A_590 = arith.addf %add3A_556, %select_n3A_589 : vector<16xf32>
      %select_n3A_591 = arith.select %lt3A_582, %exp3A_588, %broadcast_in_dim3A_6 : vector<16xi1>, vector<16xf32>
      %add3A_592 = arith.addf %add3A_558, %select_n3A_591 : vector<16xf32>
      %slice3A_593 = vector.extract_strided_slice %get3A_87 {offsets = [15], sizes = [1], strides = [1]} : vector<16xi32> to vector<1xi32>
      %squeeze3A_594 = vector.extract %slice3A_593[0] : i32 from vector<1xi32>
      %slice3A_595 = vector.extract_strided_slice %get3A_90 {offsets = [15], sizes = [1], strides = [1]} : vector<16xi32> to vector<1xi32>
      %squeeze3A_596 = vector.extract %slice3A_595[0] : i32 from vector<1xi32>
      %eq3A_597 = arith.constant 1 : i32
      %eq3A_598 = arith.cmpi eq, %squeeze3A_596, %eq3A_597 : i32
      %jit3A_599 = arith.constant 32 : i32
      %select_n3A_600 = arith.select %eq3A_598, %jit3A_599, %squeeze3A_594 : i32
      %add3A_601 = arith.constant 15 : i32
      %add3A_602 = arith.addi %mul3A_85, %add3A_601 : i32
      %get3A_603 = arith.index_cast %add3A_602 : i32 to index
      %get3A_604 = arith.constant 0 : index
      %get3A_605 = tpu.vector_load %arg6[%get3A_603, %get3A_604] {strides = array<i32>} : memref<128x32xf32, #tpu.memory_space<vmem>>, vector<1x16xf32>,
      %get3A_606 = vector.shape_cast %get3A_605 : vector<1x16xf32> to vector<16xf32>
      %add3A_607 = arith.constant 15 : i32
      %add3A_608 = arith.addi %mul3A_85, %add3A_607 : i32
      %get3A_609 = arith.index_cast %add3A_608 : i32 to index
      %get3A_610 = arith.constant 16 : index
      %get3A_611 = tpu.vector_load %arg6[%get3A_609, %get3A_610] {strides = array<i32>} : memref<128x32xf32, #tpu.memory_space<vmem>>, vector<1x16xf32>,
      %get3A_612 = vector.shape_cast %get3A_611 : vector<1x16xf32> to vector<16xf32>
      %lt3A_613 = vector.broadcast %select_n3A_600 : i32 to vector<16xi32>
      %lt3A_614 = arith.cmpi slt, %iota3A, %lt3A_613 : vector<16xi32>
      %lt3A_615 = vector.broadcast %select_n3A_600 : i32 to vector<16xi32>
      %lt3A_616 = arith.cmpi slt, %add3A_5, %lt3A_615 : vector<16xi32>
      %sub3A_617 = arith.subf %get3A_606, %scan3A_14#0 : vector<16xf32>
      %select_n3A_618 = arith.select %lt3A_614, %sub3A_617, %broadcast_in_dim3A_6 : vector<16xi1>, vector<16xf32>
      %exp3A_619 = math.exp %select_n3A_618 : vector<16xf32>
      %sub3A_620 = arith.subf %get3A_612, %scan3A_14#1 : vector<16xf32>
      %select_n3A_621 = arith.select %lt3A_616, %sub3A_620, %broadcast_in_dim3A_6 : vector<16xi1>, vector<16xf32>
      %exp3A_622 = math.exp %select_n3A_621 : vector<16xf32>
      %select_n3A_623 = arith.select %lt3A_614, %exp3A_619, %broadcast_in_dim3A_6 : vector<16xi1>, vector<16xf32>
      %add3A_624 = arith.addf %add3A_590, %select_n3A_623 : vector<16xf32>
      %select_n3A_625 = arith.select %lt3A_616, %exp3A_622, %broadcast_in_dim3A_6 : vector<16xi1>, vector<16xf32>
      %add3A_626 = arith.addf %add3A_592, %select_n3A_625 : vector<16xf32>
      scf.yield %add3A_624, %add3A_626 : vector<16xf32>, vector<16xf32>
    }
    %scan3A_21 = arith.constant 8 : i32
    %swap3A = arith.constant 0 : i32
    %swap3A_22 = arith.index_cast %swap3A : i32 to index
    %swap3A_23 = arith.constant 0 : index
    %swap3A_24 = tpu.vector_load %arg9[%swap3A_22, %swap3A_23] {strides = array<i32>} : memref<10x16xf32, #tpu.memory_space<vmem>>, vector<1x16xf32>,
    %swap3A_25 = vector.shape_cast %swap3A_24 : vector<1x16xf32> to vector<16xf32>
    %swap3A_26 = vector.shape_cast %scan3A_14#0 : vector<16xf32> to vector<1x16xf32>
    tpu.vector_store %arg9[%swap3A_22, %swap3A_23], %swap3A_26 {strides = array<i32>} : memref<10x16xf32, #tpu.memory_space<vmem>>, vector<1x16xf32>,
    %swap3A_27 = arith.constant 1 : i32
    %swap3A_28 = arith.index_cast %swap3A_27 : i32 to index
    %swap3A_29 = arith.constant 0 : index
    %swap3A_30 = tpu.vector_load %arg9[%swap3A_28, %swap3A_29] {strides = array<i32>} : memref<10x16xf32, #tpu.memory_space<vmem>>, vector<1x16xf32>,
    %swap3A_31 = vector.shape_cast %swap3A_30 : vector<1x16xf32> to vector<16xf32>
    %swap3A_32 = vector.shape_cast %scan3A_14#1 : vector<16xf32> to vector<1x16xf32>
    tpu.vector_store %arg9[%swap3A_28, %swap3A_29], %swap3A_32 {strides = array<i32>} : memref<10x16xf32, #tpu.memory_space<vmem>>, vector<1x16xf32>,
    %swap3A_33 = arith.constant 2 : i32
    %swap3A_34 = arith.index_cast %swap3A_33 : i32 to index
    %swap3A_35 = arith.constant 0 : index
    %swap3A_36 = tpu.vector_load %arg9[%swap3A_34, %swap3A_35] {strides = array<i32>} : memref<10x16xf32, #tpu.memory_space<vmem>>, vector<1x16xf32>,
    %swap3A_37 = vector.shape_cast %swap3A_36 : vector<1x16xf32> to vector<16xf32>
    %swap3A_38 = vector.shape_cast %scan3A_20#0 : vector<16xf32> to vector<1x16xf32>
    tpu.vector_store %arg9[%swap3A_34, %swap3A_35], %swap3A_38 {strides = array<i32>} : memref<10x16xf32, #tpu.memory_space<vmem>>, vector<1x16xf32>,
    %swap3A_39 = arith.constant 3 : i32
    %swap3A_40 = arith.index_cast %swap3A_39 : i32 to index
    %swap3A_41 = arith.constant 0 : index
    %swap3A_42 = tpu.vector_load %arg9[%swap3A_40, %swap3A_41] {strides = array<i32>} : memref<10x16xf32, #tpu.memory_space<vmem>>, vector<1x16xf32>,
    %swap3A_43 = vector.shape_cast %swap3A_42 : vector<1x16xf32> to vector<16xf32>
    %swap3A_44 = vector.shape_cast %scan3A_20#1 : vector<16xf32> to vector<1x16xf32>
    tpu.vector_store %arg9[%swap3A_40, %swap3A_41], %swap3A_44 {strides = array<i32>} : memref<10x16xf32, #tpu.memory_space<vmem>>, vector<1x16xf32>,
    %swap3A_45 = arith.constant 4 : i32
    %swap3A_46 = arith.index_cast %swap3A_45 : i32 to index
    %swap3A_47 = arith.constant 0 : index
    %swap3A_48 = tpu.vector_load %arg9[%swap3A_46, %swap3A_47] {strides = array<i32>} : memref<10x16xf32, #tpu.memory_space<vmem>>, vector<1x16xf32>,
    %swap3A_49 = vector.shape_cast %swap3A_48 : vector<1x16xf32> to vector<16xf32>
    %swap3A_50 = vector.shape_cast %scan3A_14#2 : vector<16xf32> to vector<1x16xf32>
    tpu.vector_store %arg9[%swap3A_46, %swap3A_47], %swap3A_50 {strides = array<i32>} : memref<10x16xf32, #tpu.memory_space<vmem>>, vector<1x16xf32>,
    %swap3A_51 = arith.constant 5 : i32
    %swap3A_52 = arith.index_cast %swap3A_51 : i32 to index
    %swap3A_53 = arith.constant 0 : index
    %swap3A_54 = tpu.vector_load %arg9[%swap3A_52, %swap3A_53] {strides = array<i32>} : memref<10x16xf32, #tpu.memory_space<vmem>>, vector<1x16xf32>,
    %swap3A_55 = vector.shape_cast %swap3A_54 : vector<1x16xf32> to vector<16xf32>
    %swap3A_56 = vector.shape_cast %scan3A_14#3 : vector<16xf32> to vector<1x16xf32>
    tpu.vector_store %arg9[%swap3A_52, %swap3A_53], %swap3A_56 {strides = array<i32>} : memref<10x16xf32, #tpu.memory_space<vmem>>, vector<1x16xf32>,
    %swap3A_57 = arith.constant 6 : i32
    %swap3A_58 = arith.index_cast %swap3A_57 : i32 to index
    %swap3A_59 = arith.constant 0 : index
    %swap3A_60 = tpu.vector_load %arg9[%swap3A_58, %swap3A_59] {strides = array<i32>} : memref<10x16xf32, #tpu.memory_space<vmem>>, vector<1x16xf32>,
    %swap3A_61 = vector.shape_cast %swap3A_60 : vector<1x16xf32> to vector<16xf32>
    %swap3A_62 = vector.shape_cast %scan3A_14#4 : vector<16xf32> to vector<1x16xf32>
    tpu.vector_store %arg9[%swap3A_58, %swap3A_59], %swap3A_62 {strides = array<i32>} : memref<10x16xf32, #tpu.memory_space<vmem>>, vector<1x16xf32>,
    %swap3A_63 = arith.constant 7 : i32
    %swap3A_64 = arith.index_cast %swap3A_63 : i32 to index
    %swap3A_65 = arith.constant 0 : index
    %swap3A_66 = tpu.vector_load %arg9[%swap3A_64, %swap3A_65] {strides = array<i32>} : memref<10x16xf32, #tpu.memory_space<vmem>>, vector<1x16xf32>,
    %swap3A_67 = vector.shape_cast %swap3A_66 : vector<1x16xf32> to vector<16xf32>
    %swap3A_68 = vector.shape_cast %scan3A_14#5 : vector<16xf32> to vector<1x16xf32>
    tpu.vector_store %arg9[%swap3A_64, %swap3A_65], %swap3A_68 {strides = array<i32>} : memref<10x16xf32, #tpu.memory_space<vmem>>, vector<1x16xf32>,
    %swap3A_69 = arith.constant 8 : i32
    %swap3A_70 = arith.index_cast %swap3A_69 : i32 to index
    %swap3A_71 = arith.constant 0 : index
    %swap3A_72 = tpu.vector_load %arg9[%swap3A_70, %swap3A_71] {strides = array<i32>} : memref<10x16xf32, #tpu.memory_space<vmem>>, vector<1x16xf32>,
    %swap3A_73 = vector.shape_cast %swap3A_72 : vector<1x16xf32> to vector<16xf32>
    %swap3A_74 = vector.shape_cast %scan3A_14#6 : vector<16xf32> to vector<1x16xf32>
    tpu.vector_store %arg9[%swap3A_70, %swap3A_71], %swap3A_74 {strides = array<i32>} : memref<10x16xf32, #tpu.memory_space<vmem>>, vector<1x16xf32>,
    %swap3A_75 = arith.constant 9 : i32
    %swap3A_76 = arith.index_cast %swap3A_75 : i32 to index
    %swap3A_77 = arith.constant 0 : index
    %swap3A_78 = tpu.vector_load %arg9[%swap3A_76, %swap3A_77] {strides = array<i32>} : memref<10x16xf32, #tpu.memory_space<vmem>>, vector<1x16xf32>,
    %swap3A_79 = vector.shape_cast %swap3A_78 : vector<1x16xf32> to vector<16xf32>
    %swap3A_80 = vector.shape_cast %scan3A_14#7 : vector<16xf32> to vector<1x16xf32>
    tpu.vector_store %arg9[%swap3A_76, %swap3A_77], %swap3A_80 {strides = array<i32>} : memref<10x16xf32, #tpu.memory_space<vmem>>, vector<1x16xf32>,
    "tpu.region"() ({
      %run_scoped3A = tpu.sem_alloc : memref<!tpu.dma_semaphore, #tpu.memory_space<semaphore_mem>>
      %dma_start3A = arith.constant 0 : i32
      %dma_start3A_81 = arith.constant 0 : i32
      %dma_start3A_82 = tpu.memref_slice %arg5[%add3A, %dma_start3A, %dma_start3A_81] : memref<32x10x16xf32, #tpu.memory_space<hbm>> -> memref<1x10x16xf32, #tpu.memory_space<hbm>>
      %dma_start3A_83 = tpu.memref_squeeze %dma_start3A_82 : memref<1x10x16xf32, #tpu.memory_space<hbm>> -> memref<10x16xf32, #tpu.memory_space<hbm>>
      %dma_start3A_84 = arith.constant 0 : i32
      %dma_start3A_85 = arith.constant 0 : i32
      %dma_start3A_86 = tpu.memref_slice %arg5[%add3A, %dma_start3A_84, %dma_start3A_85] : memref<32x10x16xf32, #tpu.memory_space<hbm>> -> memref<1x10x16xf32, #tpu.memory_space<hbm>>
      %dma_start3A_87 = tpu.memref_squeeze %dma_start3A_86 : memref<1x10x16xf32, #tpu.memory_space<hbm>> -> memref<10x16xf32, #tpu.memory_space<hbm>>
      tpu.enqueue_dma source(%arg9 : memref<10x16xf32, #tpu.memory_space<vmem>>) target(%dma_start3A_87 : memref<10x16xf32, #tpu.memory_space<hbm>>) target_semaphore(%run_scoped3A : memref<!tpu.dma_semaphore, #tpu.memory_space<semaphore_mem>>)
      %dma_wait3A = arith.constant 0 : i32
      %dma_wait3A_88 = arith.constant 0 : i32
      %dma_wait3A_89 = tpu.memref_slice %arg5[%add3A, %dma_wait3A, %dma_wait3A_88] : memref<32x10x16xf32, #tpu.memory_space<hbm>> -> memref<1x10x16xf32, #tpu.memory_space<hbm>>
      %dma_wait3A_90 = tpu.memref_squeeze %dma_wait3A_89 : memref<1x10x16xf32, #tpu.memory_space<hbm>> -> memref<10x16xf32, #tpu.memory_space<hbm>>
      %dma_wait3A_91 = arith.constant 0 : i32
      %dma_wait3A_92 = arith.constant 0 : i32
      %dma_wait3A_93 = tpu.memref_slice %arg5[%add3A, %dma_wait3A_91, %dma_wait3A_92] : memref<32x10x16xf32, #tpu.memory_space<hbm>> -> memref<1x10x16xf32, #tpu.memory_space<hbm>>
      %dma_wait3A_94 = tpu.memref_squeeze %dma_wait3A_93 : memref<1x10x16xf32, #tpu.memory_space<hbm>> -> memref<10x16xf32, #tpu.memory_space<hbm>>
      tpu.wait_dma2 semaphore(%run_scoped3A : memref<!tpu.dma_semaphore, #tpu.memory_space<semaphore_mem>>) src(%arg9 : memref<10x16xf32, #tpu.memory_space<vmem>>) dst(%dma_wait3A_94 : memref<10x16xf32, #tpu.memory_space<hbm>>)
      tpu.yield
    }) : () -> ()
    return
  }
}

</mosaic_0001>

<sc_bundles>
// kernel: _sc_stats.3.cloned.1.call-start
scs
__scs_entry_jumppad:
0x0: {  	(pc) =	sbr.rel $0x88, $3  }
0x1: {  	(tag) =	ssettag $0x0;
	lr =	simm.s32 $0x1  }
0x2: {  	[smem:$0x3F9E] =	sst lr;
	_ =	strace $0xD0000000  }
0x3: {  	_ = 	snop  }
0x4: {  	_ = 	snop  }
0x5: {  	_ = 	snop  }
0x6: {  	_ = 	snop  }
0x7: {  	_ = 	snop  }
__scs_overlays_trampoline_lowered:
0x8: {  	[smem:$0x3FAD] =	sst s0  }
0x9: {  	[smem:$0x3FAE] =	sst s1  }
0xa: {  	[smem:$0x3FAF] =	sst s2  }
0xb: {  	[smem:$0x3FB0] =	sst s3  }
0xc: {  	[smem:$0x3FB1] =	sst s4  }
0xd: {  	[smem:$0x3FB2] =	sst s5  }
0xe: {  	[smem:$0x3FB3] =	sst s6  }
0xf: {  	[smem:$0x3FB4] =	sst s7  }
0x10: {  	[smem:$0x3FB5] =	sst s8  }
0x11: {  	[smem:$0x3FB6] =	sst s9;
	s0 =	simm.s32 @!p0 $0x0  }
0x12: {  	s1 =	sld [smem:$0x3F9C];
	s0 =	simm.s32 @p0 $0x1  }
0x13: {  	[smem:$0x3FB7] =	sst s0;
	s0 =	simm.s32 @!p1 $0x0  }
0x14: {  	s2 =	sld [smem:$0x3F9B];
	s0 =	simm.s32 @p1 $0x1  }
0x15: {  	[smem:$0x3FB8] =	sst s0;
	s0 =	simm.s32 @!p2 $0x0  }
0x16: {  	s3 =	sld [smem:$0x3FDB];
	s0 =	simm.s32 @p2 $0x1  }
0x17: {  	s4 =	simm.s32 $0x1BF5;
	[smem:$0x3FBA] =	sst s0  }
0x18: {  	s0 =	sld [smem:$0x3F9D];
	_ =	swait.ge [sflag:s4], $0x0  }
0x19: {  	s7 =	sld [smem:$0x3F9E]  }
0x1a: {  	s8 =	sadd.s32 $0xFFFFE003, lr  }
0x1b: {  	s9 =	sadd.s32 $0xFFFFFEF7, lr;
	s5 =	simm.s32 $0xFFFFFFFF;
	p2 =	slt.u32 s8, $0xFFFFF086  }
0x1c: {  	p1 =	slt.u32 s9, $0xF7A;
	s5 =	simm.s32 @!p2 $0x0  }
0x1d: {  	s5 =	simm.s32 @p1 $0x1;
	p0 =	seq.s32 s7, s2  }
0x1e: {  	s7 =	smul.u32 @!p0 $0xF7A, s2;
	p2 =	seq.s32 @!p0 s5, $0x0  }
0x1f: {  	s9 =	smul.u32 $0xF7A, s1;
	s8 =	simm.s32 @!p0 $0x1BF5;
	p2 =	por !p2, p0  }
0x20: {  	[sflag:s8] =	ssyncset.s32 @!p0 $0xFFFFF086;
	s6 =	sadd.s32 @!p0 s3, s7;
	s7 =	simm.s32 @!p0 $0x108  }
0x21: {  	s3 =	sadd.s32 s3, s9;
	s6 =	sadd.s32 @!p0 $0x88, s6;
	s7 =	simm.s32 @p2 $0x1082  }
0x22: {  	[simem:s7], [sflag:s8] =	dma.local @!p0 [hbm:s6], $0xF7A  }
0x23: {  	s9 =	sor.u32 $0xD0000000, s2;
	s6 =	simm.s32 $0x108;
	_ =	swait.ge @!p0 [sflag:s8], $0x0  }
0x24: {  	s3 =	sadd.s32 $0x88, s3;
	s6 =	simm.s32 @!p1 $0x1082;
	[sflag:s4] =	ssyncset.s32 $0xFFFFF086  }
0x25: {  	[simem:s6], [sflag:s4] =	dma.local [hbm:s3], $0xF7A  }
0x26: {  	[smem:$0x3F9E] =	sst s1;
	(tag) =	ssettag s2;
	_ =	strace s9  }
0x27: {  	s1 =	sld [smem:$0x3FAE]  }
0x28: {  	s2 =	sld [smem:$0x3FAF]  }
0x29: {  	s4 =	sld [smem:$0x3FB1]  }
0x2a: {  	p0 =	seq.s32 s5, $0x0;
	s5 =	sld [smem:$0x3FB2]  }
0x2b: {  	s6 =	sld [smem:$0x3FB3]  }
0x2c: {  	s7 =	sld [smem:$0x3FB4]  }
0x2d: {  	s3 =	simm.s32 $0x108;
	s8 =	sld [smem:$0x3FB5]  }
0x2e: {  	s3 =	simm.s32 @!p0 $0x1082;
	s9 =	sld [smem:$0x3FB6]  }
0x2f: {  	lr =	sadd.s32 s0, s3;
	s0 =	sld [smem:$0x3FAD]  }
0x30: {  	s3 =	sld [smem:$0x3FB0]  }
0x31: {  	[smem:$0x3FB9] =	sst s10  }
0x32: {  	s10 =	sld [smem:$0x3FB7];
	_ =	sdelay $0x3  }
0x33: {  	p0 =	seq.s32 s10, $0x1;
	s10 =	sld [smem:$0x3FB9];
	_ =	sdelay $0x3  }
0x34: {  	[smem:$0x3FB9] =	sst s10  }
0x35: {  	s10 =	sld [smem:$0x3FB8];
	_ =	sdelay $0x3  }
0x36: {  	p1 =	seq.s32 s10, $0x1;
	s10 =	sld [smem:$0x3FB9];
	_ =	sdelay $0x3  }
0x37: {  	[smem:$0x3FB9] =	sst s10  }
0x38: {  	s10 =	sld [smem:$0x3FBA]  }
0x39: {  	_ = 	snop;
	(pc) =	sbr.ind lr, $3  }
0x3a: {  	_ = 	snop  }
0x3b: {  	_ = 	snop  }
0x3c: {  	p2 =	seq.s32 s10, $0x1;
	s10 =	sld [smem:$0x3FB9]  }
0x3d: {  	_ =	shalt  }
0x3e: {  	_ =	shalt  }
0x3f: {  	_ =	shalt  }
0x40: {  	_ =	shalt  }
0x41: {  	_ =	shalt  }
0x42: {  	_ =	shalt  }
0x43: {  	_ =	shalt  }
0x44: {  	_ =	shalt  }
0x45: {  	_ =	shalt  }
0x46: {  	_ =	shalt  }
0x47: {  	_ =	shalt  }
0x48: {  	_ =	shalt  }
0x49: {  	_ =	shalt  }
0x4a: {  	_ =	shalt  }
0x4b: {  	_ =	shalt  }
0x4c: {  	_ =	shalt  }
0x4d: {  	_ =	shalt  }
0x4e: {  	_ =	shalt  }
0x4f: {  	_ =	shalt  }
0x50: {  	_ =	shalt  }
0x51: {  	_ =	shalt  }
0x52: {  	_ =	shalt  }
0x53: {  	_ =	shalt  }
0x54: {  	_ =	shalt  }
0x55: {  	_ =	shalt  }
0x56: {  	_ =	shalt  }
0x57: {  	_ =	shalt  }
0x58: {  	_ =	shalt  }
0x59: {  	_ =	shalt  }
0x5a: {  	_ =	shalt  }
0x5b: {  	_ =	shalt  }
0x5c: {  	_ =	shalt  }
0x5d: {  	_ =	shalt  }
0x5e: {  	_ =	shalt  }
0x5f: {  	_ =	shalt  }
0x60: {  	_ =	shalt  }
0x61: {  	_ =	shalt  }
0x62: {  	_ =	shalt  }
0x63: {  	_ =	shalt  }
0x64: {  	_ =	shalt  }
0x65: {  	_ =	shalt  }
0x66: {  	_ =	shalt  }
0x67: {  	_ =	shalt  }
0x68: {  	_ =	shalt  }
0x69: {  	_ =	shalt  }
0x6a: {  	_ =	shalt  }
0x6b: {  	_ =	shalt  }
0x6c: {  	_ =	shalt  }
0x6d: {  	_ =	shalt  }
0x6e: {  	_ =	shalt  }
0x6f: {  	_ =	shalt  }
0x70: {  	_ =	shalt  }
0x71: {  	_ =	shalt  }
0x72: {  	_ =	shalt  }
0x73: {  	_ =	shalt  }
0x74: {  	_ =	shalt  }
0x75: {  	_ =	shalt  }
0x76: {  	_ =	shalt  }
0x77: {  	_ =	shalt  }
0x78: {  	_ =	shalt  }
0x79: {  	_ =	shalt  }
0x7a: {  	_ =	shalt  }
0x7b: {  	_ =	shalt  }
0x7c: {  	_ =	shalt  }
0x7d: {  	_ =	shalt  }
0x7e: {  	_ =	shalt  }
0x7f: {  	_ =	shalt  }
0x80: {  	_ =	shalt  }
0x81: {  	_ =	shalt  }
0x82: {  	_ =	shalt  }
0x83: {  	_ =	shalt  }
0x84: {  	_ =	shalt  }
0x85: {  	_ =	shalt  }
0x86: {  	_ =	shalt  }
0x87: {  	_ =	shalt  }
.Lfunc_end0:
.L_simem_size_0:
called_computation_lowered:
.L_overlay_start_0:
0x88: {  	s2 =	sld [smem:$0x3FD9]  }
0x89: {  	s3 =	sld [smem:$0x3FFE];
	_ =	sdelay $0x1  }
0x8a: {  	s1 =	srdreg.scid  }
0x8b: {  	s0 =	sand.u32 $0x1, s1  }
0x8c: {  	s17 =	sshll.u32 s0, $0xA;
	s2 =	sadd.s32 s3, s2  }
0x8d: {  	s2 =	sadd.s32 s2, s17  }
0x8e: {  	[smem:$0x3FC5] =	sst s2  }
0x8f: {  	_ = 	snop  }
0x90: {  	s2 =	sld [smem:$0x3FC8]  }
0x91: {  	s18 =	sld [smem:$0x3FC7];
	(tm) =	ssettm $0x1  }
0x92: {  	s4 =	sld [smem:$0x3FFB];
	_ =	sdelay $0x3  }
0x93: {  	_ =	strace s4  }
0x94: {  	s4 =	sld [smem:$0x3FFC];
	_ =	sdelay $0x3  }
0x95: {  	_ =	strace s4  }
0x96: {  	s4 =	sld [smem:$0x3FFD];
	_ =	sdelay $0x3  }
0x97: {  	_ =	strace s4  }
0x98: {  	_ =	strace $0x8FFFFFFF  }
0x99: {  	s19 =	sld [smem:$0x3FDB];
	_ =	sdelay $0x1  }
0x9a: {  	s5 =	simm.s32 $_scs_section_size  }
0x9b: {  	s6 =	simm.s32 $_size__tile_overlayer_lowered;
	s7 =	simm.s32 $_tile_overlayer_lowered  }
0x9c: {  	s22 =	simm.s32 $0x1BFF;
	s21 =	sshll.u32 s7, $0x1;
	s4 =	sadd.s32 s5, s19  }
0x9d: {  	s8 =	simm.s32 $0x0;
	s20 =	sshll.u32 s6, $0x1;
	s6 =	sadd.s32 s21, s4  }
0x9e: {  	[timem:s8], [sflag:s22] =	dma.local [hbm:s6], s20  }
0x9f: {  	_ =	swait.ge [sflag:s22], s20  }
0xa0: {  	s5 =	ssub.s32 $0x0, s20;
	[sflag:s22] =	ssyncset.done $0x0  }
0xa1: {  	[sflag:s22] =	ssyncadd.s32 s5;
	_ =	sdelay $0x1  }
0xa2: {  	s23 =	simm.s32 $0x1B8B  }
0xa3: {  	_ =	swait.ge [sflag:s23], $0x1  }
0xa4: {  	[sflag:s23] =	ssyncset.done $0x0  }
0xa5: {  	s25 =	simm.s32 $0x1B8E;
	s24 =	sld [smem:$0x3FFE];
	[sflag:s23] =	ssyncadd.s32 $0xFFFFFFFF  }
0xa6: {  	s26 =	simm.s32 $execute0_lowered;
	[smem:$0x3FD2] =	sst s25  }
0xa7: {  	s6 =	sshll.u32 s26, $0x1;
	_ =	strace $0x80000046;
	[dreg:$0x1] =	wrdreg $0xFFFFFFFF  }
0xa8: {  	s28 =	simm.s32 $_size_execute0_lowered;
	s4 =	sadd.s32 s4, s6;
	[dreg:$0x0] =	wrdreg $0x0  }
0xa9: {  	s6 =	sshll.u32 s28, $0x1;
	[dreg:$0x2] =	wrdreg s4  }
0xaa: {  	[dreg:$0x3] =	wrdreg s6  }
0xab: {  	[dreg:$0x4] =	wrdreg $0xC0  }
0xac: {  	_ =	task [dreg:s8], $0x5FFFF  }
0xad: {  	[dreg:$0x1] =	wrdreg $0xFFFFFFFF  }
0xae: {  	[dreg:$0x0] =	wrdreg $0x60  }
0xaf: {  	[dreg:$0x2] =	wrdreg s24  }
0xb0: {  	[dreg:$0x3] =	wrdreg s2  }
0xb1: {  	[dreg:$0x4] =	wrdreg s18  }
0xb2: {  	[dreg:$0x5] =	wrdreg $0x9  }
0xb3: {  	_ =	task.clear_ibuf [dreg:s8], $0x6FFFF;
	_ =	strace $0x90000046  }
0xb4: {  	s29 =	simm.s32 $0x9;
	_ =	strace $0x80000048  }
0xb5: {  	_ =	swait.ge [sflag:s29], $0x1  }
0xb6: {  	[sflag:s29] =	ssyncadd.s32 $0xFFFFFFFF  }
0xb7: {  	_ =	strace $0x90000048  }
0xb8: {  	_ =	sfence  }
0xb9: {  	s30 =	sld [smem:$0x0];
	_ =	sdelay $0x2  }
0xba: {  	s31 =	sshll.u32 s1, $0xD;
	s1 =	sshrl.u32 s1, $0x2  }
0xbb: {  	s3 =	sand.u32 $0x4000, s31;
	s1 =	sadd.s32 s1, s30  }
0xbc: {  	s0 =	sor.u32 s3, s0;
	s1 =	sshll.u32 s1, $0x11  }
0xbd: {  	s0 =	sor.u32 s1, s0  }
0xbe: {  	s0 =	sadd.s32 $0x8F2B, s0  }
0xbf: {  	[sflag:s0] =	ssyncadd.remote.s32 $0x1  }
0xc0: {  	_ =	sfence.sel $0xFFFF  }
0xc1: {  	[dreg:$0x0] =	wrdreg $0xFFFFFFFF;
	(pc) =	sbr.abs _section_cstart, $3  }
0xc2: {  	[dreg:$0x1] =	wrdreg $0xFFFFFFFF  }
0xc3: {  	_ =	task.clear_ibuf [dreg:s8], $0x2FFFF;
	_ =	strace $0x9FFFFFFF  }
0xc4: {  	(tm) =	ssettm $0x7FFFFFFF  }
0xc5: {  	_ =	shalt  }
tec
execute0_lowered:
.L_overlay_start_1:
0x0: {  	(tag) =	ssettag $0x1  }
0x1: {  	s0 =	rddreg [dreg:$0x0]  }
0x2: {  	s1 =	rddreg [dreg:$0x1]  }
0x3: {  	s2 =	rddreg [dreg:$0x2]  }
0x4: {  	s3 =	srdreg.scid;
	s4 =	stileid.u32  }
0x5: {  	s7 =	simm.s32 $0x0;
	s3 =	sand.u32 $0x1, s3;
	s4 =	sshll.u32 s4, $0x1  }
0x6: {  	[smem:$0x7FF] =	sst s7;
	s4 =	sor.u32 s3, s4;
	s3 =	ssub.s32 $0x2, s3  }
0x7: {  	s5 =	sshll.u32 s4, $0xB;
	s6 =	sshll.u32 s4, $0x8;
	s4 =	sshll.u32 s4, $0x4  }
0x8: {  	_ =	strace $0x80000047;
	s29 =	sshrl.u32 s3, $0x1;
	s1 =	sadd.s32 s1, s4  }
0x9: {  	s5 =	sadd.s32 s5, s0;
	s30 =	sadd.s32 s2, s4;
	[dreg:$0x8] =	wrdreg s1  }
0xa: {  	s0 =	sadd.s32 s6, s0;
	s5 =	sadd.s32 $0x400, s5;
	[dreg:$0x9] =	wrdreg s30  }
0xb: {  	s3 =	ssub.s32 s3, s29;
	s0 =	sadd.s32 $0x10400, s0;
	[dreg:$0x7] =	wrdreg s5  }
0xc: {  	v0 =	vlaneseq.u32;
	s31 =	smax.u32 s3, $0x1;
	[dreg:$0xa] =	wrdreg s0  }
0xd: {  	v1 =	vor.u32 $0x10, v0;
	s2 =	simm.s32 $0x0;
	s1 =	simm.s32 $0x1;
	[dreg:$0xb] =	wrdreg s31  }
.LBB2_1:
0xe: {  	[dreg:$0xc] =	wrdreg s2  }
0xf: {  	s0 =	rddreg [dreg:$0x7]  }
0x10: {  	[tilespmem:s7], [sflag:$0x1] =	stream.linear.gather [hbm4b:s0+s7], $0x4000, $0x38;
	[tilespmem:$0x4900] =	vst v63  }
0x11: {  	_ =	swait.ge [sflag:s1], $0x4000  }
0x12: {  	[sflag:s1] =	ssyncset.done $0x0  }
0x13: {  	s29 =	simm.s32 $0x4000;
	s28 =	rddreg [dreg:$0x8];
	[sflag:s1] =	ssyncadd.s32 $0xFFFFC000  }
0x14: {  	[tilespmem:s29], [sflag:$0x1] =	stream.linear.gather [hbm4b:s28+s7], $0x80, $0x38;
	[tilespmem:$0x4900] =	vst v63  }
0x15: {  	_ =	swait.ge [sflag:s1], $0x80  }
0x16: {  	[sflag:s1] =	ssyncset.done $0x0  }
0x17: {  	s31 =	simm.s32 $0x4080;
	s30 =	rddreg [dreg:$0x9];
	[sflag:s1] =	ssyncadd.s32 $0xFFFFFF80  }
0x18: {  	[tilespmem:s31], [sflag:$0x1] =	stream.linear.gather [hbm4b:s30+s7], $0x80, $0x38;
	[tilespmem:$0x4900] =	vst v63  }
0x19: {  	v8 =	vimm.f32 $-Inf;
	v2 =	vimm.f32 $0.0e+00;
	v3 =	vimm.f32 $0.0e+00;
	_ =	swait.ge [sflag:s1], $0x80  }
0x1a: {  	v4 =	vimm.f32 $0.0e+00;
	v5 =	vimm.f32 $0.0e+00;
	v6 =	vimm.f32 $0.0e+00;
	s13 =	simm.s32 $0x400;
	[sflag:s1] =	ssyncset.done $0x0  }
0x1b: {  	s14 =	simm.s32 $0x400;
	s15 =	simm.s32 $0x0;
	v7 =	vimm.f32 $0.0e+00;
	v9 =	vimm.f32 $0.0e+00;
	v10 =	vimm.f32 $-Inf;
	[sflag:s1] =	ssyncadd.s32 $0xFFFFFF80  }
.LBB2_2:
0x1c: {  	s0 =	sshra.s32 s15, $0x2  }
0x1d: {  	v12 =	vld [tilespmem:s0+$0x4000]  }
0x1e: {  	v11 =	vld [tilespmem:s0+$0x4080];
	_ =	sdelay $0x3  }
0x1f: {  	(v2sf) =	vpush v12, $0x0  }
0x20: {  	(v2sf) =	vpush v11, $0x0;
	_ =	sdelay $0x3  }
0x21: {  	(v2sf) =	vpush v12, $0x1;
	_ =	sdelay $0x1  }
0x22: {  	(v2sf) =	vpush v11, $0x1;
	_ =	sdelay $0x5  }
0x23: {  	v13 =	vld [tilespmem:s14+$0xFFFFFC00]  }
0x24: {  	v14 =	vld [tilespmem:s14+$0xFFFFFC10]  }
0x25: {  	s0 =	spop (v2sf)  }
0x26: {  	(v2sf) =	vpush v12, $0x2;
	s1 =	spop (v2sf)  }
0x27: {  	(v2sf) =	vpush v11, $0x2;
	p0 =	seq.s32 s1, $0x1;
	s1 =	smov.u32 s0  }
0x28: {  	s1 =	simm.s32 @p0 $0x20  }
0x29: {  	v42 =	vmax.f32 v10, v13;
	v43 =	vmax.f32 v8, v14;
	s0 =	simm.s32 @!p0 $0xFFFFFFFF;
	v15 =	vmov s1  }
0x2a: {  	v16 =	vmov s0;
	s0 =	spop (v2sf);
	(v2sf) =	vpush v12, $0x3;
	vm0 =	vgt.s32 v15, v0  }
0x2b: {  	v45 =	vld [tilespmem:s14+$0xFFFFFC80];
	vm1 =	vgt.s32 v15, v1;
	vm2 =	veq.s32 v16, v0;
	vm3 =	veq.s32 v16, v1  }
0x2c: {  	v49 =	vld [tilespmem:s14+$0xFFFFFC90];
	s16 =	spop (v2sf);
	(v2sf) =	vpush v11, $0x3;
	v10 =	vsel vm0, v42, v10;
	v13 =	vnsel vm2, $0x0, v13  }
0x2d: {  	v44 =	vnsel vm3, $0x0, v14;
	v46 =	vsel vm2, $0x3F800000, v2;
	v47 =	vsel vm3, $0x3F800000, v2  }
0x2e: {  	v48 =	vsel vm0, $0x3F800000, v2;
	v9 =	vadd.f32 v13, v9;
	v7 =	vadd.f32 v44, v7  }
0x2f: {  	s1 =	smov.u32 s0;
	p0 =	seq.s32 s16, $0x1;
	v50 =	vsel vm1, $0x3F800000, v2;
	v6 =	vadd.f32 v46, v6;
	v5 =	vadd.f32 v47, v5  }
0x30: {  	v8 =	vsel vm1, v43, v8;
	s1 =	simm.s32 @p0 $0x20;
	v4 =	vadd.f32 v48, v4;
	v3 =	vadd.f32 v50, v3  }
0x31: {  	s0 =	simm.s32 @!p0 $0xFFFFFFFF;
	v53 =	vmax.f32 v10, v45;
	v54 =	vmax.f32 v8, v49;
	v51 =	vmov s1  }
0x32: {  	v52 =	vmov s0;
	vm6 =	vgt.s32 v51, v0;
	vm7 =	vgt.s32 v51, v1  }
0x33: {  	v56 =	vld [tilespmem:s14+$0xFFFFFD00];
	vm8 =	veq.s32 v52, v0;
	vm9 =	veq.s32 v52, v1;
	v10 =	vsel vm6, v53, v10  }
0x34: {  	v60 =	vld [tilespmem:s14+$0xFFFFFD10];
	v13 =	vnsel vm8, $0x0, v45;
	v55 =	vnsel vm9, $0x0, v49;
	v57 =	vsel vm8, $0x3F800000, v2  }
0x35: {  	v58 =	vsel vm9, $0x3F800000, v2;
	v9 =	vadd.f32 v9, v13;
	v7 =	vadd.f32 v7, v55;
	s0 =	spop (v2sf)  }
0x36: {  	v59 =	vsel vm6, $0x3F800000, v2;
	v6 =	vadd.f32 v6, v57;
	(v2sf) =	vpush v12, $0x4;
	s17 =	spop (v2sf)  }
0x37: {  	v61 =	vsel vm7, $0x3F800000, v2;
	v5 =	vadd.f32 v5, v58;
	s1 =	smov.u32 s0;
	(v2sf) =	vpush v11, $0x4;
	p0 =	seq.s32 s17, $0x1  }
0x38: {  	v8 =	vsel vm7, v54, v8;
	v4 =	vadd.f32 v4, v59;
	v3 =	vadd.f32 v3, v61;
	s1 =	simm.s32 @p0 $0x20  }
0x39: {  	v20 =	vmax.f32 v10, v56;
	v21 =	vmax.f32 v8, v60;
	s0 =	simm.s32 @!p0 $0xFFFFFFFF;
	v62 =	vmov s1  }
0x3a: {  	v63 =	vmov s0;
	s0 =	spop (v2sf);
	(v2sf) =	vpush v12, $0x5;
	vm10 =	vgt.s32 v62, v0  }
0x3b: {  	v23 =	vld [tilespmem:s14+$0xFFFFFD80];
	vm11 =	vgt.s32 v62, v1;
	vm12 =	veq.s32 v63, v0;
	vm13 =	veq.s32 v63, v1  }
0x3c: {  	v27 =	vld [tilespmem:s14+$0xFFFFFD90];
	s18 =	spop (v2sf);
	(v2sf) =	vpush v11, $0x5;
	v10 =	vsel vm10, v20, v10;
	v13 =	vnsel vm12, $0x0, v56  }
0x3d: {  	v22 =	vnsel vm13, $0x0, v60;
	v24 =	vsel vm12, $0x3F800000, v2;
	v25 =	vsel vm13, $0x3F800000, v2  }
0x3e: {  	v26 =	vsel vm10, $0x3F800000, v2;
	v9 =	vadd.f32 v9, v13;
	v7 =	vadd.f32 v7, v22  }
0x3f: {  	s1 =	smov.u32 s0;
	p0 =	seq.s32 s18, $0x1;
	v28 =	vsel vm11, $0x3F800000, v2;
	v6 =	vadd.f32 v6, v24;
	v5 =	vadd.f32 v5, v25  }
0x40: {  	v8 =	vsel vm11, v21, v8;
	s1 =	simm.s32 @p0 $0x20;
	v4 =	vadd.f32 v4, v26;
	v3 =	vadd.f32 v3, v28  }
0x41: {  	s0 =	simm.s32 @!p0 $0xFFFFFFFF;
	v31 =	vmax.f32 v10, v23;
	v32 =	vmax.f32 v8, v27;
	v29 =	vmov s1  }
0x42: {  	v30 =	vmov s0;
	vm14 =	vgt.s32 v29, v0;
	vm15 =	vgt.s32 v29, v1  }
0x43: {  	v34 =	vld [tilespmem:s14+$0xFFFFFE00];
	vm6 =	veq.s32 v30, v0;
	vm7 =	veq.s32 v30, v1;
	v10 =	vsel vm14, v31, v10  }
0x44: {  	v38 =	vld [tilespmem:s14+$0xFFFFFE10];
	v13 =	vnsel vm6, $0x0, v23;
	v33 =	vnsel vm7, $0x0, v27;
	v35 =	vsel vm6, $0x3F800000, v2  }
0x45: {  	v36 =	vsel vm7, $0x3F800000, v2;
	v9 =	vadd.f32 v9, v13;
	v7 =	vadd.f32 v7, v33;
	s0 =	spop (v2sf)  }
0x46: {  	v37 =	vsel vm14, $0x3F800000, v2;
	v6 =	vadd.f32 v6, v35;
	(v2sf) =	vpush v12, $0x6;
	s19 =	spop (v2sf)  }
0x47: {  	v39 =	vsel vm15, $0x3F800000, v2;
	v5 =	vadd.f32 v5, v36;
	s1 =	smov.u32 s0;
	(v2sf) =	vpush v11, $0x6;
	p0 =	seq.s32 s19, $0x1  }
0x48: {  	v8 =	vsel vm15, v32, v8;
	v4 =	vadd.f32 v4, v37;
	v3 =	vadd.f32 v3, v39;
	s1 =	simm.s32 @p0 $0x20  }
0x49: {  	v42 =	vmax.f32 v10, v34;
	v43 =	vmax.f32 v8, v38;
	s0 =	simm.s32 @!p0 $0xFFFFFFFF;
	v40 =	vmov s1  }
0x4a: {  	v41 =	vmov s0;
	s0 =	spop (v2sf);
	(v2sf) =	vpush v12, $0x7;
	vm8 =	vgt.s32 v40, v0  }
0x4b: {  	v45 =	vld [tilespmem:s14+$0xFFFFFE80];
	vm9 =	vgt.s32 v40, v1;
	vm10 =	veq.s32 v41, v0;
	vm11 =	veq.s32 v41, v1  }
0x4c: {  	v49 =	vld [tilespmem:s14+$0xFFFFFE90];
	s20 =	spop (v2sf);
	(v2sf) =	vpush v11, $0x7;
	v10 =	vsel vm8, v42, v10;
	v13 =	vnsel vm10, $0x0, v34  }
0x4d: {  	v44 =	vnsel vm11, $0x0, v38;
	v46 =	vsel vm10, $0x3F800000, v2;
	v47 =	vsel vm11, $0x3F800000, v2  }
0x4e: {  	v48 =	vsel vm8, $0x3F800000, v2;
	v9 =	vadd.f32 v9, v13;
	v7 =	vadd.f32 v44, v7  }
0x4f: {  	s1 =	smov.u32 s0;
	p0 =	seq.s32 s20, $0x1;
	v50 =	vsel vm9, $0x3F800000, v2;
	v6 =	vadd.f32 v6, v46;
	v5 =	vadd.f32 v5, v47  }
0x50: {  	v8 =	vsel vm9, v43, v8;
	s1 =	simm.s32 @p0 $0x20;
	v4 =	vadd.f32 v4, v48;
	v3 =	vadd.f32 v3, v50  }
0x51: {  	s0 =	simm.s32 @!p0 $0xFFFFFFFF;
	v53 =	vmax.f32 v10, v45;
	v54 =	vmax.f32 v8, v49;
	v51 =	vmov s1  }
0x52: {  	v52 =	vmov s0;
	vm12 =	vgt.s32 v51, v0;
	vm13 =	vgt.s32 v51, v1  }
0x53: {  	v56 =	vld [tilespmem:s14+$0xFFFFFF00];
	vm14 =	veq.s32 v52, v0;
	vm15 =	veq.s32 v52, v1;
	v10 =	vsel vm12, v53, v10  }
0x54: {  	v60 =	vld [tilespmem:s14+$0xFFFFFF10];
	v13 =	vnsel vm14, $0x0, v45;
	v55 =	vnsel vm15, $0x0, v49;
	v57 =	vsel vm14, $0x3F800000, v2  }
0x55: {  	v58 =	vsel vm15, $0x3F800000, v2;
	v9 =	vadd.f32 v13, v9;
	v7 =	vadd.f32 v55, v7;
	s0 =	spop (v2sf)  }
0x56: {  	v59 =	vsel vm12, $0x3F800000, v2;
	v6 =	vadd.f32 v6, v57;
	(v2sf) =	vpush v12, $0x8;
	s21 =	spop (v2sf)  }
0x57: {  	v61 =	vsel vm13, $0x3F800000, v2;
	v5 =	vadd.f32 v5, v58;
	s1 =	smov.u32 s0;
	(v2sf) =	vpush v11, $0x8;
	p0 =	seq.s32 s21, $0x1  }
0x58: {  	v8 =	vsel vm13, v54, v8;
	v4 =	vadd.f32 v4, v59;
	v3 =	vadd.f32 v3, v61;
	s1 =	simm.s32 @p0 $0x20  }
0x59: {  	v20 =	vmax.f32 v10, v56;
	v21 =	vmax.f32 v8, v60;
	s0 =	simm.s32 @!p0 $0xFFFFFFFF;
	v62 =	vmov s1  }
0x5a: {  	v63 =	vmov s0;
	s0 =	spop (v2sf);
	(v2sf) =	vpush v12, $0x9;
	vm6 =	vgt.s32 v62, v0  }
0x5b: {  	v23 =	vld [tilespmem:s14+$0xFFFFFF80];
	vm7 =	vgt.s32 v62, v1;
	vm8 =	veq.s32 v63, v0;
	vm9 =	veq.s32 v63, v1  }
0x5c: {  	v27 =	vld [tilespmem:s14+$0xFFFFFF90];
	s22 =	spop (v2sf);
	(v2sf) =	vpush v11, $0x9;
	v10 =	vsel vm6, v20, v10;
	v13 =	vnsel vm8, $0x0, v56  }
0x5d: {  	v22 =	vnsel vm9, $0x0, v60;
	v24 =	vsel vm8, $0x3F800000, v2;
	v25 =	vsel vm9, $0x3F800000, v2  }
0x5e: {  	v26 =	vsel vm6, $0x3F800000, v2;
	v9 =	vadd.f32 v13, v9;
	v7 =	vadd.f32 v22, v7  }
0x5f: {  	s1 =	smov.u32 s0;
	p0 =	seq.s32 s22, $0x1;
	v28 =	vsel vm7, $0x3F800000, v2;
	v6 =	vadd.f32 v6, v24;
	v5 =	vadd.f32 v5, v25  }
0x60: {  	v8 =	vsel vm7, v21, v8;
	s1 =	simm.s32 @p0 $0x20;
	v4 =	vadd.f32 v4, v26;
	v3 =	vadd.f32 v3, v28  }
0x61: {  	s0 =	simm.s32 @!p0 $0xFFFFFFFF;
	v31 =	vmax.f32 v10, v23;
	v32 =	vmax.f32 v8, v27;
	v29 =	vmov s1  }
0x62: {  	v30 =	vmov s0;
	vm10 =	vgt.s32 v29, v0;
	vm11 =	vgt.s32 v29, v1  }
0x63: {  	v34 =	vld [tilespmem:s14+$0x0];
	vm12 =	veq.s32 v30, v0;
	vm13 =	veq.s32 v30, v1;
	v10 =	vsel vm10, v31, v10  }
0x64: {  	v38 =	vld [tilespmem:s14+$0x10];
	v13 =	vnsel vm12, $0x0, v23;
	v33 =	vnsel vm13, $0x0, v27;
	v35 =	vsel vm12, $0x3F800000, v2  }
0x65: {  	v36 =	vsel vm13, $0x3F800000, v2;
	v9 =	vadd.f32 v13, v9;
	v7 =	vadd.f32 v33, v7;
	s0 =	spop (v2sf)  }
0x66: {  	v37 =	vsel vm10, $0x3F800000, v2;
	v6 =	vadd.f32 v6, v35;
	(v2sf) =	vpush v12, $0xA;
	s23 =	spop (v2sf)  }
0x67: {  	v39 =	vsel vm11, $0x3F800000, v2;
	v5 =	vadd.f32 v5, v36;
	s1 =	smov.u32 s0;
	(v2sf) =	vpush v11, $0xA;
	p0 =	seq.s32 s23, $0x1  }
0x68: {  	v8 =	vsel vm11, v32, v8;
	v4 =	vadd.f32 v4, v37;
	v3 =	vadd.f32 v3, v39;
	s1 =	simm.s32 @p0 $0x20  }
0x69: {  	v42 =	vmax.f32 v10, v34;
	v43 =	vmax.f32 v8, v38;
	s0 =	simm.s32 @!p0 $0xFFFFFFFF;
	v40 =	vmov s1  }
0x6a: {  	v41 =	vmov s0;
	s0 =	spop (v2sf);
	(v2sf) =	vpush v12, $0xB;
	vm14 =	vgt.s32 v40, v0  }
0x6b: {  	v45 =	vld [tilespmem:s14+$0x80];
	vm15 =	vgt.s32 v40, v1;
	vm6 =	veq.s32 v41, v0;
	vm7 =	veq.s32 v41, v1  }
0x6c: {  	v49 =	vld [tilespmem:s14+$0x90];
	s24 =	spop (v2sf);
	(v2sf) =	vpush v11, $0xB;
	v10 =	vsel vm14, v42, v10;
	v13 =	vnsel vm6, $0x0, v34  }
0x6d: {  	v44 =	vnsel vm7, $0x0, v38;
	v46 =	vsel vm6, $0x3F800000, v2;
	v47 =	vsel vm7, $0x3F800000, v2  }
0x6e: {  	v48 =	vsel vm14, $0x3F800000, v2;
	v9 =	vadd.f32 v13, v9;
	v7 =	vadd.f32 v44, v7  }
0x6f: {  	s1 =	smov.u32 s0;
	p0 =	seq.s32 s24, $0x1;
	v50 =	vsel vm15, $0x3F800000, v2;
	v6 =	vadd.f32 v6, v46;
	v5 =	vadd.f32 v5, v47  }
0x70: {  	v8 =	vsel vm15, v43, v8;
	s1 =	simm.s32 @p0 $0x20;
	v4 =	vadd.f32 v4, v48;
	v3 =	vadd.f32 v3, v50  }
0x71: {  	s0 =	simm.s32 @!p0 $0xFFFFFFFF;
	v53 =	vmax.f32 v10, v45;
	v54 =	vmax.f32 v8, v49;
	v51 =	vmov s1  }
0x72: {  	v52 =	vmov s0;
	vm8 =	vgt.s32 v51, v0;
	vm9 =	vgt.s32 v51, v1  }
0x73: {  	v56 =	vld [tilespmem:s14+$0x100];
	vm10 =	veq.s32 v52, v0;
	vm11 =	veq.s32 v52, v1;
	v10 =	vsel vm8, v53, v10  }
0x74: {  	v60 =	vld [tilespmem:s14+$0x110];
	v13 =	vnsel vm10, $0x0, v45;
	v55 =	vnsel vm11, $0x0, v49;
	v57 =	vsel vm10, $0x3F800000, v2  }
0x75: {  	v58 =	vsel vm11, $0x3F800000, v2;
	v9 =	vadd.f32 v13, v9;
	v7 =	vadd.f32 v55, v7;
	s0 =	spop (v2sf)  }
0x76: {  	v59 =	vsel vm8, $0x3F800000, v2;
	v6 =	vadd.f32 v6, v57;
	(v2sf) =	vpush v12, $0xC;
	s25 =	spop (v2sf)  }
0x77: {  	v61 =	vsel vm9, $0x3F800000, v2;
	v5 =	vadd.f32 v5, v58;
	s1 =	smov.u32 s0;
	(v2sf) =	vpush v11, $0xC;
	p0 =	seq.s32 s25, $0x1  }
0x78: {  	v8 =	vsel vm9, v54, v8;
	v4 =	vadd.f32 v4, v59;
	v3 =	vadd.f32 v3, v61;
	s1 =	simm.s32 @p0 $0x20  }
0x79: {  	v20 =	vmax.f32 v10, v56;
	v21 =	vmax.f32 v8, v60;
	s0 =	simm.s32 @!p0 $0xFFFFFFFF;
	v62 =	vmov s1  }
0x7a: {  	v63 =	vmov s0;
	s0 =	spop (v2sf);
	(v2sf) =	vpush v12, $0xD;
	vm12 =	vgt.s32 v62, v0  }
0x7b: {  	v23 =	vld [tilespmem:s14+$0x180];
	vm13 =	vgt.s32 v62, v1;
	vm14 =	veq.s32 v63, v0;
	vm15 =	veq.s32 v63, v1  }
0x7c: {  	v27 =	vld [tilespmem:s14+$0x190];
	s26 =	spop (v2sf);
	(v2sf) =	vpush v11, $0xD;
	v10 =	vsel vm12, v20, v10;
	v13 =	vnsel vm14, $0x0, v56  }
0x7d: {  	v22 =	vnsel vm15, $0x0, v60;
	v24 =	vsel vm14, $0x3F800000, v2;
	v25 =	vsel vm15, $0x3F800000, v2  }
0x7e: {  	v26 =	vsel vm12, $0x3F800000, v2;
	v9 =	vadd.f32 v13, v9;
	v7 =	vadd.f32 v22, v7  }
0x7f: {  	s1 =	smov.u32 s0;
	p0 =	seq.s32 s26, $0x1;
	v28 =	vsel vm13, $0x3F800000, v2;
	v6 =	vadd.f32 v6, v24;
	v5 =	vadd.f32 v5, v25  }
0x80: {  	v8 =	vsel vm13, v21, v8;
	s1 =	simm.s32 @p0 $0x20;
	v4 =	vadd.f32 v4, v26;
	v3 =	vadd.f32 v3, v28  }
0x81: {  	s0 =	simm.s32 @!p0 $0xFFFFFFFF;
	v31 =	vmax.f32 v10, v23;
	v32 =	vmax.f32 v8, v27;
	v29 =	vmov s1  }
0x82: {  	v30 =	vmov s0;
	vm6 =	vgt.s32 v29, v0;
	vm7 =	vgt.s32 v29, v1  }
0x83: {  	v37 =	vld [tilespmem:s14+$0x210];
	vm8 =	veq.s32 v30, v0;
	vm9 =	veq.s32 v30, v1;
	v10 =	vsel vm6, v31, v10  }
0x84: {  	v34 =	vld [tilespmem:s14+$0x200];
	v13 =	vnsel vm8, $0x0, v23;
	v33 =	vnsel vm9, $0x0, v27;
	v35 =	vsel vm8, $0x3F800000, v2  }
0x85: {  	v36 =	vsel vm9, $0x3F800000, v2;
	v9 =	vadd.f32 v13, v9;
	s0 =	spop (v2sf);
	(v2sf) =	vpush v12, $0xE  }
0x86: {  	v38 =	vsel vm6, $0x3F800000, v2;
	v7 =	vadd.f32 v33, v7;
	s28 =	spop (v2sf);
	(v2sf) =	vpush v11, $0xE  }
0x87: {  	v39 =	vsel vm7, $0x3F800000, v2;
	v6 =	vadd.f32 v6, v35;
	v5 =	vadd.f32 v5, v36;
	s1 =	smov.u32 s0;
	p0 =	seq.s32 s28, $0x1  }
0x88: {  	v8 =	vsel vm7, v32, v8;
	v4 =	vadd.f32 v4, v38;
	v3 =	vadd.f32 v3, v39;
	s1 =	simm.s32 @p0 $0x20  }
0x89: {  	v42 =	vmax.f32 v10, v34;
	v43 =	vmax.f32 v8, v37;
	s0 =	simm.s32 @!p0 $0xFFFFFFFF;
	v40 =	vmov s1  }
0x8a: {  	v41 =	vmov s0;
	s0 =	spop (v2sf);
	(v2sf) =	vpush v12, $0xF;
	vm10 =	vgt.s32 v40, v0  }
0x8b: {  	v45 =	vld [tilespmem:s14+$0x280];
	vm11 =	vgt.s32 v40, v1;
	vm12 =	veq.s32 v41, v0;
	vm13 =	veq.s32 v41, v1  }
0x8c: {  	s29 =	spop (v2sf);
	(v2sf) =	vpush v11, $0xF;
	v10 =	vsel vm10, v42, v10;
	v8 =	vsel vm11, v43, v8  }
0x8d: {  	v13 =	vnsel vm12, $0x0, v34;
	v44 =	vnsel vm13, $0x0, v37;
	v11 =	vsel vm12, $0x3F800000, v2  }
0x8e: {  	v47 =	vld [tilespmem:s14+$0x290];
	v46 =	vsel vm13, $0x3F800000, v2;
	v9 =	vadd.f32 v13, v9;
	v7 =	vadd.f32 v44, v7  }
0x8f: {  	s1 =	smov.u32 s0;
	p0 =	seq.s32 s29, $0x1;
	v6 =	vadd.f32 v6, v11;
	v5 =	vadd.f32 v5, v46;
	v11 =	vsel vm10, $0x3F800000, v2  }
0x90: {  	s1 =	simm.s32 @p0 $0x20;
	s0 =	simm.s32 @!p0 $0xFFFFFFFF;
	v49 =	vmax.f32 v10, v45;
	v4 =	vadd.f32 v4, v11;
	v11 =	vsel vm11, $0x3F800000, v2  }
0x91: {  	v48 =	vmov s1;
	v3 =	vadd.f32 v3, v11;
	v11 =	vmov s0  }
0x92: {  	vm14 =	vgt.s32 v48, v0;
	vm15 =	vgt.s32 v48, v1;
	vm6 =	veq.s32 v11, v0  }
0x93: {  	v52 =	vld [tilespmem:s14+$0x310];
	vm7 =	veq.s32 v11, v1;
	v10 =	vsel vm14, v49, v10;
	v11 =	vmax.f32 v8, v47  }
0x94: {  	v53 =	vsel vm14, $0x3F800000, v2;
	v8 =	vsel vm15, v11, v8;
	v11 =	vnsel vm6, $0x0, v45;
	s0 =	spop (v2sf)  }
0x95: {  	v51 =	vld [tilespmem:s14+$0x300];
	v50 =	vnsel vm7, $0x0, v47;
	v9 =	vadd.f32 v11, v9;
	v11 =	vsel vm6, $0x3F800000, v2;
	s30 =	spop (v2sf)  }
0x96: {  	v4 =	vadd.f32 v4, v53;
	v6 =	vadd.f32 v6, v11;
	v11 =	vsel vm7, $0x3F800000, v2;
	s1 =	smov.u32 s0;
	p0 =	seq.s32 s30, $0x1  }
0x97: {  	v7 =	vadd.f32 v50, v7;
	v5 =	vadd.f32 v5, v11;
	v11 =	vsel vm15, $0x3F800000, v2;
	s1 =	simm.s32 @p0 $0x20  }
0x98: {  	v55 =	vmax.f32 v8, v52;
	v3 =	vadd.f32 v3, v11;
	s0 =	simm.s32 @!p0 $0xFFFFFFFF;
	v11 =	vmov s1  }
0x99: {  	v54 =	vmov s0;
	vm8 =	vgt.s32 v11, v0;
	vm9 =	vgt.s32 v11, v1  }
0x9a: {  	vm10 =	veq.s32 v54, v0;
	vm11 =	veq.s32 v54, v1;
	v11 =	vmax.f32 v10, v51  }
0x9b: {  	s0 =	spop (v2sf);
	v10 =	vsel vm8, v11, v10;
	v8 =	vsel vm9, v55, v8;
	v11 =	vnsel vm10, $0x0, v51  }
0x9c: {  	v57 =	vld [tilespmem:s14+$0x380];
	s31 =	spop (v2sf);
	v56 =	vsel vm10, $0x3F800000, v2;
	v9 =	vadd.f32 v11, v9;
	v11 =	vnsel vm11, $0x0, v52  }
0x9d: {  	s1 =	smov.u32 s0;
	p0 =	seq.s32 s31, $0x1;
	v59 =	vsel vm9, $0x3F800000, v2;
	v7 =	vadd.f32 v11, v7;
	v11 =	vsel vm11, $0x3F800000, v2  }
0x9e: {  	v58 =	vld [tilespmem:s14+$0x390];
	v6 =	vadd.f32 v6, v56;
	s1 =	simm.s32 @p0 $0x20;
	v5 =	vadd.f32 v5, v11;
	v11 =	vsel vm8, $0x3F800000, v2  }
0x9f: {  	v3 =	vadd.f32 v3, v59;
	s0 =	simm.s32 @!p0 $0xFFFFFFFF;
	v4 =	vadd.f32 v4, v11;
	v11 =	vmov s1  }
0xa0: {  	vm12 =	vgt.s32 v11, v0;
	vm13 =	vgt.s32 v11, v1;
	v11 =	vmov s0  }
0xa1: {  	p0 =	sne.s32 s15, $0x1C0;
	vm14 =	veq.s32 v11, v0;
	vm15 =	veq.s32 v11, v1;
	v11 =	vmax.f32 v10, v57  }
.Ltmp0:
0xa2: {  	v62 =	vsel vm12, $0x3F800000, v2;
	v63 =	vsel vm13, $0x3F800000, v2;
	v10 =	vsel vm12, v11, v10;
	(pc) =	sbr.rel @p0 .LBB2_2-.Ltmp0, $4  }
0xa3: {  	v11 =	vmax.f32 v8, v58;
	v13 =	vnsel vm14, $0x0, v57;
	v12 =	vnsel vm15, $0x0, v58  }
0xa4: {  	v60 =	vsel vm14, $0x3F800000, v2;
	v4 =	vadd.f32 v4, v62;
	v3 =	vadd.f32 v3, v63  }
0xa5: {  	v61 =	vsel vm15, $0x3F800000, v2;
	v9 =	vadd.f32 v13, v9;
	v7 =	vadd.f32 v12, v7  }
0xa6: {  	s14 =	sadd.s32 $0x800, s14;
	s15 =	sadd.s32 $0x40, s15;
	v6 =	vadd.f32 v6, v60;
	v5 =	vadd.f32 v5, v61;
	v8 =	vsel vm13, v11, v8  }
0xa7: {  	s0 =	simm.s32 $0x0  }
0xa8: {  	v11 =	vld [tilespmem:s0+$0x4000]  }
0xa9: {  	v12 =	vld [tilespmem:s0+$0x4080];
	_ =	sdelay $0x3  }
0xaa: {  	(v2sf) =	vpush v11, $0xF  }
0xab: {  	(v2sf) =	vpush v12, $0xF  }
0xac: {  	(v2sf) =	vpush v11, $0xE  }
0xad: {  	(v2sf) =	vpush v12, $0xE  }
0xae: {  	(v2sf) =	vpush v11, $0xD  }
0xaf: {  	(v2sf) =	vpush v12, $0xD  }
0xb0: {  	(v2sf) =	vpush v11, $0xC  }
0xb1: {  	(v2sf) =	vpush v12, $0xC  }
0xb2: {  	(v2sf) =	vpush v11, $0xB  }
0xb3: {  	(v2sf) =	vpush v12, $0xB  }
0xb4: {  	(v2sf) =	vpush v11, $0xA  }
0xb5: {  	(v2sf) =	vpush v12, $0xA  }
0xb6: {  	(v2sf) =	vpush v11, $0x9  }
0xb7: {  	v13 =	vld [tilespmem:s13+$0x380];
	(v2sf) =	vpush v12, $0x9  }
0xb8: {  	v14 =	vld [tilespmem:s13+$0x390];
	(v2sf) =	vpush v11, $0x8  }
0xb9: {  	v15 =	vld [tilespmem:s13+$0x300];
	(v2sf) =	vpush v12, $0x8;
	s15 =	spop (v2sf)  }
0xba: {  	v16 =	vld [tilespmem:s13+$0x310];
	(v2sf) =	vpush v11, $0x7;
	s7 =	spop (v2sf)  }
0xbb: {  	v17 =	vld [tilespmem:s13+$0x280];
	(v2sf) =	vpush v12, $0x7;
	s16 =	spop (v2sf)  }
0xbc: {  	v18 =	vld [tilespmem:s13+$0x290];
	(v2sf) =	vpush v11, $0x6;
	s6 =	spop (v2sf)  }
0xbd: {  	v19 =	vld [tilespmem:s13+$0x200];
	(v2sf) =	vpush v12, $0x6;
	s17 =	spop (v2sf)  }
0xbe: {  	v20 =	vld [tilespmem:s13+$0x210];
	(v2sf) =	vpush v11, $0x5;
	s12 =	spop (v2sf)  }
0xbf: {  	v21 =	vld [tilespmem:s13+$0x180];
	(v2sf) =	vpush v12, $0x5;
	s19 =	spop (v2sf)  }
0xc0: {  	v22 =	vld [tilespmem:s13+$0x190];
	(v2sf) =	vpush v11, $0x4;
	s8 =	spop (v2sf)  }
0xc1: {  	v23 =	vld [tilespmem:s13+$0x100];
	v13 =	vsub.f32 v13, v10;
	(v2sf) =	vpush v12, $0x4;
	s18 =	spop (v2sf)  }
0xc2: {  	v24 =	vld [tilespmem:s13+$0x110];
	v14 =	vsub.f32 v14, v8;
	(v2sf) =	vpush v11, $0x3;
	s24 =	spop (v2sf)  }
0xc3: {  	v25 =	vld [tilespmem:s13+$0x80];
	v15 =	vsub.f32 v15, v10;
	(v2sf) =	vpush v12, $0x3;
	s20 =	spop (v2sf)  }
0xc4: {  	v26 =	vld [tilespmem:s13+$0x90];
	v16 =	vsub.f32 v16, v8;
	(v2sf) =	vpush v11, $0x2;
	s28 =	spop (v2sf)  }
0xc5: {  	v27 =	vld [tilespmem:s13+$0x0];
	v17 =	vsub.f32 v17, v10;
	(v2sf) =	vpush v12, $0x2;
	s22 =	spop (v2sf)  }
0xc6: {  	v28 =	vld [tilespmem:s13+$0x10];
	v18 =	vsub.f32 v18, v8;
	(v2sf) =	vpush v11, $0x1;
	s30 =	spop (v2sf)  }
0xc7: {  	v29 =	vld [tilespmem:s13+$0xFFFFFF00];
	v19 =	vsub.f32 v19, v10;
	(v2sf) =	vpush v12, $0x1;
	s21 =	spop (v2sf)  }
0xc8: {  	v30 =	vld [tilespmem:s13+$0xFFFFFF10];
	v20 =	vsub.f32 v20, v8;
	(v2sf) =	vpush v11, $0x0;
	s31 =	spop (v2sf)  }
0xc9: {  	v31 =	vld [tilespmem:s13+$0xFFFFFE80];
	v21 =	vsub.f32 v21, v10;
	(v2sf) =	vpush v12, $0x0;
	s23 =	spop (v2sf)  }
0xca: {  	v32 =	vld [tilespmem:s13+$0xFFFFFE90];
	v22 =	vsub.f32 v22, v8;
	v23 =	vsub.f32 v23, v10;
	s9 =	spop (v2sf)  }
0xcb: {  	v33 =	vld [tilespmem:s13+$0xFFFFFE00];
	v24 =	vsub.f32 v24, v8;
	v25 =	vsub.f32 v25, v10;
	s25 =	spop (v2sf)  }
0xcc: {  	v36 =	vld [tilespmem:s13+$0xFFFFFE10];
	v26 =	vsub.f32 v26, v8;
	v27 =	vsub.f32 v27, v10;
	s10 =	spop (v2sf)  }
0xcd: {  	v39 =	vld [tilespmem:s13+$0xFFFFFD90];
	v28 =	vsub.f32 v28, v8;
	v37 =	vsub.f32 v29, v10;
	s26 =	spop (v2sf)  }
0xce: {  	v30 =	vsub.f32 v30, v8;
	v35 =	vsub.f32 v31, v10;
	v31 =	vld [tilespmem:s13+$0xFFFFFD00];
	s3 =	spop (v2sf)  }
0xcf: {  	v38 =	vsub.f32 v32, v8;
	v13 =	vmul.f32 $1.442695020e+00, v13;
	v15 =	vmul.f32 $1.442695020e+00, v15;
	v12 =	vld [tilespmem:s13+$0xFFFFFF90];
	s29 =	spop (v2sf)  }
0xd0: {  	v63 =	vld [tilespmem:s13+$0xFFFFFD10];
	v40 =	vsub.f32 v33, v10;
	v17 =	vmul.f32 $1.442695020e+00, v17;
	v19 =	vmul.f32 $1.442695020e+00, v19;
	s5 =	spop (v2sf)  }
0xd1: {  	v41 =	vsub.f32 v36, v8;
	v21 =	vmul.f32 $1.442695020e+00, v21;
	v23 =	vmul.f32 $1.442695020e+00, v23;
	v11 =	vld [tilespmem:s13+$0xFFFFFF80];
	s0 =	spop (v2sf)  }
0xd2: {  	v29 =	vld [tilespmem:s13+$0xFFFFFD80];
	v43 =	vsub.f32 v39, v8;
	v25 =	vmul.f32 $1.442695020e+00, v25;
	v27 =	vmul.f32 $1.442695020e+00, v27;
	s2 =	spop (v2sf)  }
0xd3: {  	v30 =	vmul.f32 $1.442695020e+00, v30;
	v44 =	vsub.f32 v31, v10;
	v31 =	vmul.f32 $1.442695020e+00, v37;
	s1 =	spop (v2sf)  }
0xd4: {  	v34 =	vsub.f32 v12, v8;
	v12 =	vmul.f32 $1.442695020e+00, v14;
	v14 =	vmul.f32 $1.442695020e+00, v16;
	s4 =	spop (v2sf)  }
0xd5: {  	v46 =	vld [tilespmem:s13+$0xFFFFFC80];
	v45 =	vsub.f32 v63, v8;
	v16 =	vmul.f32 $1.442695020e+00, v18;
	v18 =	vmul.f32 $1.442695020e+00, v20;
	s11 =	spop (v2sf)  }
0xd6: {  	v47 =	vld [tilespmem:s13+$0xFFFFFC90];
	p1 =	seq.s32 s6, $0x1;
	v11 =	vsub.f32 v11, v10;
	v20 =	vmul.f32 $1.442695020e+00, v22;
	v22 =	vmul.f32 $1.442695020e+00, v24;
	s6 =	spop (v2sf)  }
0xd7: {  	v49 =	vld [tilespmem:s13+$0xFFFFFC00];
	s14 =	simm.s32 $0x40;
	v42 =	vsub.f32 v29, v10;
	p2 =	seq.s32 s8, $0x1;
	v24 =	vmul.f32 $1.442695020e+00, v26;
	v26 =	vmul.f32 $1.442695020e+00, v28;
	s8 =	spop (v2sf)  }
0xd8: {  	v48 =	vld [tilespmem:s13+$0xFFFFFC10];
	p3 =	seq.s32 s7, $0x1;
	p4 =	seq.s32 s12, $0x1;
	v29 =	vmul.f32 $1.442695020e+00, v11;
	v11 =	vimm.f32 $0.0e+00;
	v28 =	vmul.f32 $1.442695020e+00, v34;
	s7 =	spop (v2sf)  }
.LBB2_4:
0xd9: {  	p0 =	sne.s32 s14, $0x1C0;
	p6 =	seq.s32 s31, $0x1;
	s16 =	simm.s32 @p1 $0x20;
	v33 =	vmul.f32 $1.442695020e+00, v35;
	v32 =	vmul.f32 $1.442695020e+00, v38  }
0xda: {  	s15 =	simm.s32 @p3 $0x20;
	p1 =	seq.s32 s3, $0x1;
	s19 =	simm.s32 @p2 $0x20;
	v35 =	vmul.f32 $1.442695020e+00, v40;
	v34 =	vmul.f32 $1.442695020e+00, v41  }
0xdb: {  	s17 =	simm.s32 @p4 $0x20;
	p3 =	seq.s32 s5, $0x1;
	p4 =	seq.s32 s4, $0x1;
	v62 =	vimm.s32 $0x0;
	v38 =	vmul.f32 $1.442695020e+00, v42;
	v37 =	vmul.f32 $1.442695020e+00, v43  }
0xdc: {  	v63 =	vimm.s32 $0x0;
	s12 =	simm.s32 @!p0 $0x0;
	v42 =	vmul.f32 $1.442695020e+00, v44;
	v43 =	vmul.f32 $1.442695020e+00, v45;
	s21 =	simm.s32 @p6 $0x20;
	s29 =	simm.s32 @p3 $0x20  }
0xdd: {  	v45 =	vmov s19;
	s26 =	simm.s32 @p1 $0x20;
	p1 =	seq.s32 s7, $0x1;
	s1 =	simm.s32 @p4 $0x20;
	v53 =	vmov s21;
	v55 =	vmov s29  }
0xde: {  	s12 =	simm.s32 @p0 $0x1;
	p0 =	seq.s32 s28, $0x1;
	s8 =	simm.s32 @p1 $0x20;
	v56 =	vmov s26;
	v59 =	vmov s1;
	vm5 =	vgt.s32 v45, v1  }
0xdf: {  	[smem:$0x7FD] =	sst s12;
	s12 =	simm.s32 @!p0 $0x0;
	v57 =	vmov s8;
	vm11 =	vgt.s32 v53, v0;
	vm6 =	vgt.s32 v53, v1  }
0xe0: {  	p5 =	seq.s32 s30, $0x1;
	v53 =	vimm.s32 $0x0;
	v36 =	vsub.f32 v46, v10;
	s12 =	simm.s32 @p0 $0x1;
	p0 =	seq.s32 s24, $0x1;
	v39 =	vsub.f32 v47, v8  }
0xe1: {  	s22 =	simm.s32 @p5 $0x20;
	v60 =	vsub.f32 v49, v10;
	v61 =	vsub.f32 v48, v8;
	v47 =	vmov s16;
	[smem:$0x7FA] =	sst s12;
	s12 =	simm.s32 @!p0 $0x0  }
0xe2: {  	v46 =	vmov s17;
	v48 =	vmov s22;
	vm10 =	vgt.s32 v47, v0;
	s12 =	simm.s32 @p0 $0x1;
	p0 =	seq.s32 s9, $0x1  }
0xe3: {  	vm0 =	vgt.s32 v46, v0;
	vm15 =	vgt.s32 v46, v1;
	vm2 =	vgt.s32 v47, v1;
	[smem:$0x7FB] =	sst s12;
	s9 =	simm.s32 @!p0 $0x0  }
0xe4: {  	v46 =	vimm.s32 $0x0;
	v47 =	vimm.s32 $0x0;
	v44 =	vmul.f32 $1.442695020e+00, v36;
	s9 =	simm.s32 @p0 $0x1;
	p0 =	seq.s32 s10, $0x1;
	s10 =	sld [smem:$0x7FA]  }
0xe5: {  	v40 =	vmul.f32 $1.442695020e+00, v60;
	v36 =	vmov s15;
	v60 =	vimm.s32 $0x0;
	s12 =	sld [smem:$0x7FB]  }
0xe6: {  	vm12 =	vgt.s32 v48, v0;
	v60 =	vsel vm10, $0xFFFFFFFF, v60;
	vm4 =	vgt.s32 v36, v1  }
0xe7: {  	vm1 =	vgt.s32 v36, v0;
	[tilespmem:$0x1FFC0] =	vst v60;
	v60 =	vimm.s32 $0x0;
	v36 =	vsel vm4, $0xFFFFFFFF, v62;
	p2 =	seq.s32 s10, $0x1  }
0xe8: {  	vm13 =	vgt.s32 v48, v1;
	v48 =	vimm.s32 $0x0;
	v60 =	vsel vm1, $0xFFFFFFFF, v60;
	[tilespmem:$0x1FFF0] =	vst v36;
	s20 =	simm.s32 @p2 $0x20;
	p2 =	seq.s32 s12, $0x1  }
0xe9: {  	v41 =	vmul.f32 $1.442695020e+00, v61;
	v36 =	vsel vm0, $0xFFFFFFFF, v63;
	[tilespmem:$0x1FFE0] =	vst v60;
	v60 =	vimm.s32 $0x0;
	s18 =	simm.s32 @p2 $0x20  }
0xea: {  	v61 =	vimm.s32 $0x0;
	[tilespmem:$0x1FFA0] =	vst v36;
	v36 =	vsel vm15, $0xFFFFFFFF, v60;
	v50 =	vmov s18  }
0xeb: {  	v62 =	vimm.s32 $0x0;
	[tilespmem:$0x1FFB0] =	vst v36;
	v36 =	vsel vm2, $0xFFFFFFFF, v61;
	vm14 =	vgt.s32 v50, v0  }
0xec: {  	[smem:$0x7FC] =	sst s9;
	vm0 =	vgt.s32 v45, v0;
	v63 =	vimm.s32 $0x0;
	[tilespmem:$0x1FFD0] =	vst v36;
	v36 =	vsel vm14, $0xFFFFFFFF, v62  }
0xed: {  	v39 =	vmul.f32 $1.442695020e+00, v39;
	s15 =	sld [smem:$0x7FC];
	v49 =	vmov s20;
	[tilespmem:$0x1FF60] =	vst v36;
	v36 =	vsel vm0, $0xFFFFFFFF, v63  }
0xee: {  	v45 =	vimm.s32 $0x0;
	vm7 =	vgt.s32 v49, v0;
	[tilespmem:$0x1FF80] =	vst v36;
	v36 =	vsel vm5, $0xFFFFFFFF, v46  }
0xef: {  	vm9 =	vgt.s32 v49, v1;
	v49 =	vimm.s32 $0x0;
	[tilespmem:$0x1FF90] =	vst v36;
	v36 =	vsel vm7, $0xFFFFFFFF, v47  }
0xf0: {  	s25 =	simm.s32 @p0 $0x20;
	v60 =	vimm.s32 $0x0;
	p0 =	seq.s32 s15, $0x1;
	vm3 =	vgt.s32 v50, v1;
	[tilespmem:$0x1FF40] =	vst v36;
	v36 =	vsel vm9, $0xFFFFFFFF, v49  }
0xf1: {  	v51 =	vmov s25;
	v61 =	vimm.s32 $0x0;
	p2 =	seq.s32 s2, $0x1;
	s23 =	simm.s32 @p0 $0x20;
	[tilespmem:$0x1FF50] =	vst v36;
	v36 =	vsel vm3, $0xFFFFFFFF, v60  }
0xf2: {  	s0 =	simm.s32 @p2 $0x20;
	v52 =	vmov s23;
	v62 =	vimm.s32 $0x0;
	[tilespmem:$0x1FF70] =	vst v36;
	v36 =	vsel vm11, $0xFFFFFFFF, v61  }
0xf3: {  	v54 =	vmov s0;
	v63 =	vimm.s32 $0x0;
	[tilespmem:$0x1FF00] =	vst v36;
	v36 =	vsel vm12, $0xFFFFFFFF, v62  }
0xf4: {  	v50 =	vimm.s32 $0x0;
	vm9 =	vgt.s32 v52, v0;
	[tilespmem:$0x1FF20] =	vst v36;
	v36 =	vsel vm13, $0xFFFFFFFF, v63  }
0xf5: {  	v46 =	vimm.s32 $0x0;
	vm11 =	vgt.s32 v52, v1;
	[tilespmem:$0x1FF30] =	vst v36;
	v36 =	vsel vm9, $0xFFFFFFFF, v45  }
0xf6: {  	v47 =	vimm.s32 $0x0;
	v49 =	vimm.s32 $0x0;
	[tilespmem:$0x1FE90] =	vst v36;
	v36 =	vsel vm11, $0xFFFFFFFF, v46  }
0xf7: {  	vm12 =	vgt.s32 v56, v0;
	vm13 =	vgt.s32 v51, v0;
	[tilespmem:$0x1FEB0] =	vst v36;
	v36 =	vsel vm6, $0xFFFFFFFF, v47  }
0xf8: {  	vm9 =	vgt.s32 v51, v1;
	v51 =	vimm.s32 $0x0;
	[tilespmem:$0x1FF10] =	vst v36;
	v36 =	vsel vm12, $0xFFFFFFFF, v48  }
0xf9: {  	p0 =	seq.s32 s6, $0x1;
	vm11 =	vgt.s32 v55, v0;
	vm12 =	vgt.s32 v55, v1;
	[tilespmem:$0x1FEC0] =	vst v36;
	v36 =	vsel vm13, $0xFFFFFFFF, v49  }
0xfa: {  	s11 =	simm.s32 @p0 $0x20;
	v55 =	vnsel vm10, $0x0, v15;
	v15 =	vnsel vm2, $0x0, v14;
	v14 =	vld [tilespmem:$0x1FFA0];
	[tilespmem:$0x1FED0] =	vst v36;
	v36 =	vsel vm9, $0xFFFFFFFF, v50  }
0xfb: {  	v58 =	vmov s11;
	v52 =	vimm.s32 $0x0;
	[tilespmem:$0x1FEF0] =	vst v36;
	v36 =	vsel vm11, $0xFFFFFFFF, v51  }
0xfc: {  	vm7 =	vgt.s32 v54, v0;
	vm13 =	vgt.s32 v56, v1;
	[tilespmem:$0x1FE80] =	vst v36;
	v36 =	vsel vm12, $0xFFFFFFFF, v52  }
0xfd: {  	vm9 =	vgt.s32 v54, v1;
	v54 =	vimm.s32 $0x0;
	[tilespmem:$0x1FEA0] =	vst v36;
	v36 =	vsel vm13, $0xFFFFFFFF, v53  }
0xfe: {  	vm6 =	vgt.s32 v57, v1;
	[tilespmem:$0x1FEE0] =	vst v36;
	v36 =	vsel vm9, $0xFFFFFFFF, v54;
	vm9 =	vgt.s32 v57, v0  }
0xff: {  	vm10 =	vnez.u8 v14;
	v14 =	vnsel vm15, $0x0, v16;
	v16 =	vnsel vm9, $0x0, v40  }
0x100: {  	v56 =	vnsel vm6, $0x0, v41;
	vm12 =	vgt.s32 v58, v0;
	(erf) = vpow2.f32 v16  }
0x101: {  	vm13 =	vgt.s32 v58, v1;
	v16 =	vnsel vm12, $0x0, v44;
	(erf) = vpow2.f32 v56  }
0x102: {  	vm8 =	vgt.s32 v59, v0;
	v62 =	vld [tilespmem:$0x1FF00];
	v39 =	vnsel vm13, $0x0, v39;
	(erf) = vpow2.f32 v16  }
0x103: {  	v61 =	vld [tilespmem:$0x1FF30];
	vm11 =	vgt.s32 v59, v1;
	v16 =	vnsel vm8, $0x0, v42;
	(erf) = vpow2.f32 v39  }
0x104: {  	v59 =	vld [tilespmem:$0x1FF20];
	v60 =	vnsel vm11, $0x0, v43;
	[tilespmem:$0x1FE70] =	vst v36;
	(erf) = vpow2.f32 v16  }
0x105: {  	v63 =	vld [tilespmem:$0x1FE70];
	v16 =	vnsel vm7, $0x0, v38;
	(erf) = vpow2.f32 v60  }
0x106: {  	(erf) = vpow2.f32 v16;
	v16 =	vld [tilespmem:$0x1FE80]  }
0x107: {  	v47 =	vld [tilespmem:$0x1FEF0]  }
0x108: {  	v18 =	vnsel vm5, $0x0, v18;
	v13 =	vnsel vm1, $0x0, v13;
	v58 =	vld [tilespmem:$0x1FF50]  }
0x109: {  	v12 =	vnsel vm4, $0x0, v12;
	v19 =	vnsel vm0, $0x0, v19;
	v21 =	vnsel vm14, $0x0, v21;
	v57 =	vld [tilespmem:$0x1FF40]  }
0x10a: {  	v20 =	vnsel vm3, $0x0, v20;
	vm5 =	vnez.u8 v61;
	v40 =	vld [tilespmem:$0x1FF10];
	vm0 =	vnez.u8 v63  }
0x10b: {  	v24 =	vnsel vm5, $0x0, v24;
	v46 =	vld [tilespmem:$0x1FEE0];
	v37 =	vnsel vm0, $0x0, v37;
	vm2 =	vnez.u8 v16  }
0x10c: {  	v17 =	vnsel vm10, $0x0, v17;
	v42 =	vld [tilespmem:$0x1FEA0];
	(erf) = vpow2.f32 v37;
	v16 =	vnsel vm2, $0x0, v35  }
0x10d: {  	vm10 =	vmmov vm8;
	vm4 =	vnez.u8 v59;
	(erf) = vpow2.f32 v16;
	v16 =	vld [tilespmem:$0x1FEC0]  }
0x10e: {  	v25 =	vnsel vm4, $0x0, v25;
	vm4 =	vnez.u8 v47;
	vm15 =	vnez.u8 v58  }
0x10f: {  	v44 =	vld [tilespmem:$0x1FED0];
	v30 =	vnsel vm4, $0x0, v30;
	vm14 =	vnez.u8 v57;
	v22 =	vnsel vm15, $0x0, v22  }
0x110: {  	v41 =	vld [tilespmem:$0x1FE90];
	v23 =	vnsel vm14, $0x0, v23;
	vm14 =	vmmov vm7;
	vm7 =	vnez.u8 v62  }
0x111: {  	v43 =	vld [tilespmem:$0x1FEB0];
	vm8 =	vnez.u8 v40;
	vm1 =	vnez.u8 v46;
	vm15 =	vnez.u8 v42  }
0x112: {  	v27 =	vnsel vm7, $0x0, v27;
	v34 =	vnsel vm15, $0x0, v34;
	vm3 =	vnez.u8 v16  }
0x113: {  	v26 =	vnsel vm8, $0x0, v26;
	v45 =	vpop (erf);
	(erf) = vpow2.f32 v34;
	v16 =	vnsel vm3, $0x0, v33  }
0x114: {  	vm5 =	vnez.u8 v44;
	v32 =	vnsel vm1, $0x0, v32;
	v48 =	vpop (erf);
	(erf) = vpow2.f32 v16  }
0x115: {  	vm8 =	vnez.u8 v41;
	v31 =	vnsel vm5, $0x0, v31;
	v51 =	vpop (erf);
	(erf) = vpow2.f32 v32  }
0x116: {  	vm7 =	vnez.u8 v43;
	v29 =	vnsel vm8, $0x0, v29;
	v16 =	vpop (erf);
	(erf) = vpow2.f32 v31  }
0x117: {  	v28 =	vnsel vm7, $0x0, v28;
	v49 =	vnsel vm9, $0x0, v45;
	v53 =	vpop (erf);
	(erf) = vpow2.f32 v30  }
0x118: {  	v2 =	vadd.f32 v49, v2;
	v52 =	vnsel vm13, $0x0, v16;
	v16 =	vpop (erf);
	(erf) = vpow2.f32 v29  }
0x119: {  	v31 =	vnsel vm12, $0x0, v51;
	v30 =	vpop (erf);
	(erf) = vpow2.f32 v28  }
0x11a: {  	v2 =	vadd.f32 v2, v31;
	v31 =	vnsel vm11, $0x0, v16;
	v16 =	vpop (erf);
	(erf) = vpow2.f32 v27  }
0x11b: {  	v29 =	vnsel vm10, $0x0, v53;
	v28 =	vpop (erf);
	(erf) = vpow2.f32 v26  }
0x11c: {  	v2 =	vadd.f32 v2, v29;
	v29 =	vnsel vm0, $0x0, v16;
	v16 =	vpop (erf);
	(erf) = vpow2.f32 v25  }
0x11d: {  	v27 =	vnsel vm14, $0x0, v30;
	v26 =	vpop (erf);
	(erf) = vpow2.f32 v24  }
0x11e: {  	v2 =	vadd.f32 v27, v2;
	v27 =	vnsel vm15, $0x0, v16;
	v16 =	vpop (erf);
	(erf) = vpow2.f32 v23  }
0x11f: {  	v25 =	vnsel vm2, $0x0, v28;
	v24 =	vpop (erf);
	(erf) = vpow2.f32 v22  }
0x120: {  	v2 =	vadd.f32 v25, v2;
	v25 =	vnsel vm1, $0x0, v16;
	v16 =	vpop (erf);
	(erf) = vpow2.f32 v21  }
0x121: {  	v23 =	vnsel vm3, $0x0, v26;
	v22 =	vpop (erf);
	(erf) = vpow2.f32 v20  }
0x122: {  	v2 =	vadd.f32 v23, v2;
	v23 =	vnsel vm4, $0x0, v16;
	v16 =	vpop (erf);
	(erf) = vpow2.f32 v19  }
0x123: {  	v21 =	vnsel vm5, $0x0, v24;
	v20 =	vpop (erf);
	(erf) = vpow2.f32 v18  }
0x124: {  	v2 =	vadd.f32 v21, v2;
	v21 =	vnsel vm7, $0x0, v16;
	v16 =	vpop (erf);
	(erf) = vpow2.f32 v17;
	v17 =	vld [tilespmem:$0x1FF00];
	_ =	sdelay $0x1  }
0x125: {  	v50 =	vnsel vm6, $0x0, v48  }
0x126: {  	v11 =	vadd.f32 v50, v11  }
0x127: {  	v19 =	vnsel vm8, $0x0, v22  }
0x128: {  	v11 =	vadd.f32 v11, v52;
	v2 =	vadd.f32 v19, v2;
	vm12 =	vnez.u8 v17  }
0x129: {  	v18 =	vld [tilespmem:$0x1FF10];
	v17 =	vnsel vm12, $0x0, v20  }
0x12a: {  	v11 =	vadd.f32 v31, v11;
	v2 =	vadd.f32 v17, v2;
	v17 =	vld [tilespmem:$0x1FF20];
	_ =	sdelay $0x1  }
0x12b: {  	v11 =	vadd.f32 v29, v11;
	_ =	sdelay $0x1  }
0x12c: {  	v11 =	vadd.f32 v27, v11  }
0x12d: {  	vm13 =	vnez.u8 v18;
	v18 =	vpop (erf);
	vm14 =	vnez.u8 v17  }
0x12e: {  	v11 =	vadd.f32 v25, v11;
	v17 =	vnsel vm14, $0x0, v18;
	v18 =	vld [tilespmem:$0x1FF30];
	_ =	sdelay $0x1  }
0x12f: {  	v11 =	vadd.f32 v23, v11  }
0x130: {  	(erf) = vpow2.f32 v14  }
0x131: {  	v11 =	vadd.f32 v21, v11;
	v19 =	vnsel vm13, $0x0, v16;
	v16 =	vpop (erf);
	(erf) = vpow2.f32 v55  }
0x132: {  	vm15 =	vnez.u8 v18;
	v18 =	vpop (erf);
	(erf) = vpow2.f32 v15  }
0x133: {  	v11 =	vadd.f32 v19, v11;
	v19 =	vnsel vm15, $0x0, v16;
	v16 =	vpop (erf);
	(erf) = vpow2.f32 v13;
	v13 =	vld [tilespmem:$0x1FF40];
	_ =	sdelay $0x2  }
0x134: {  	s23 =	sshra.s32 s14, $0x2  }
0x135: {  	v14 =	vld [tilespmem:s23+$0x4000]  }
0x136: {  	v2 =	vadd.f32 v17, v2;
	v17 =	vld [tilespmem:$0x1FF50];
	vm4 =	vnez.u8 v13  }
0x137: {  	v15 =	vld [tilespmem:s23+$0x4080];
	v13 =	vnsel vm4, $0x0, v18  }
0x138: {  	v2 =	vadd.f32 v13, v2;
	v13 =	vld [tilespmem:$0x1FF60];
	_ =	sdelay $0x2  }
0x139: {  	(v2sf) =	vpush v14, $0xF  }
0x13a: {  	vm5 =	vnez.u8 v17;
	v11 =	vadd.f32 v19, v11  }
0x13b: {  	v16 =	vnsel vm5, $0x0, v16;
	v17 =	vpop (erf);
	(v2sf) =	vpush v15, $0xF;
	vm6 =	vnez.u8 v13  }
0x13c: {  	v11 =	vadd.f32 v16, v11;
	v16 =	vld [tilespmem:$0x1FF70];
	v13 =	vnsel vm6, $0x0, v17  }
0x13d: {  	(v2sf) =	vpush v14, $0xE;
	v2 =	vadd.f32 v13, v2;
	v13 =	vld [tilespmem:$0x1FF80];
	_ =	sdelay $0x1  }
0x13e: {  	(v2sf) =	vpush v15, $0xE;
	_ =	sdelay $0x1  }
0x13f: {  	(erf) = vpow2.f32 v12;
	v12 =	vpop (erf);
	(v2sf) =	vpush v14, $0xD  }
0x140: {  	vm7 =	vnez.u8 v16;
	v16 =	vpop (erf);
	(v2sf) =	vpush v15, $0xD;
	vm8 =	vnez.u8 v13  }
0x141: {  	(v2sf) =	vpush v14, $0xC;
	v13 =	vnsel vm8, $0x0, v16;
	v16 =	vld [tilespmem:$0x1FF90]  }
0x142: {  	(v2sf) =	vpush v15, $0xC;
	v2 =	vadd.f32 v13, v2;
	v13 =	vld [tilespmem:$0x1FFA0]  }
0x143: {  	s13 =	sadd.s32 $0x800, s13;
	(v2sf) =	vpush v14, $0xB  }
0x144: {  	v56 =	vld [tilespmem:s13+$0xFFFFFE90];
	(v2sf) =	vpush v15, $0xB  }
0x145: {  	v57 =	vld [tilespmem:s13+$0xFFFFFE00];
	(v2sf) =	vpush v14, $0xA  }
0x146: {  	v62 =	vld [tilespmem:s13+$0xFFFFFD00];
	s15 =	spop (v2sf);
	v17 =	vnsel vm7, $0x0, v12;
	v12 =	vpop (erf);
	(v2sf) =	vpush v15, $0xA  }
0x147: {  	v60 =	vld [tilespmem:s13+$0xFFFFFE10];
	(v2sf) =	vpush v14, $0x9;
	vm9 =	vnez.u8 v16;
	v16 =	vpop (erf);
	vm10 =	vnez.u8 v13  }
0x148: {  	s24 =	spop (v2sf);
	(v2sf) =	vpush v15, $0x9;
	v13 =	vnsel vm10, $0x0, v16;
	v16 =	vld [tilespmem:$0x1FFB0]  }
0x149: {  	(v2sf) =	vpush v14, $0x8;
	v2 =	vadd.f32 v13, v2;
	v13 =	vld [tilespmem:$0x1FFC0]  }
0x14a: {  	v63 =	vld [tilespmem:s13+$0xFFFFFD10];
	s16 =	spop (v2sf);
	(v2sf) =	vpush v15, $0x8  }
0x14b: {  	v38 =	vsub.f32 v56, v8;
	v30 =	vld [tilespmem:s13+$0xFFFFFF00];
	(v2sf) =	vpush v14, $0x7  }
0x14c: {  	v40 =	vsub.f32 v57, v10;
	v31 =	vld [tilespmem:s13+$0xFFFFFF10];
	s25 =	spop (v2sf);
	(v2sf) =	vpush v15, $0x7  }
0x14d: {  	v29 =	vld [tilespmem:s13+$0x10];
	v11 =	vadd.f32 v17, v11;
	(v2sf) =	vpush v14, $0x6;
	v17 =	vnsel vm9, $0x0, v12;
	v12 =	vpop (erf)  }
0x14e: {  	v26 =	vld [tilespmem:s13+$0x80];
	s17 =	spop (v2sf);
	(v2sf) =	vpush v15, $0x6;
	vm11 =	vnez.u8 v16;
	v16 =	vpop (erf);
	vm12 =	vnez.u8 v13  }
0x14f: {  	v44 =	vsub.f32 v62, v10;
	s26 =	spop (v2sf);
	(v2sf) =	vpush v14, $0x5;
	v13 =	vnsel vm12, $0x0, v16;
	v16 =	vld [tilespmem:$0x1FFD0]  }
0x150: {  	s19 =	spop (v2sf);
	(v2sf) =	vpush v15, $0x5;
	v2 =	vadd.f32 v13, v2;
	v13 =	vld [tilespmem:$0x1FFE0]  }
0x151: {  	v61 =	vsub.f32 v31, v8;
	v31 =	vld [tilespmem:s13+$0xFFFFFD90];
	s12 =	spop (v2sf);
	(v2sf) =	vpush v14, $0x4  }
0x152: {  	v41 =	vsub.f32 v60, v8;
	v24 =	vld [tilespmem:s13+$0x100];
	s18 =	spop (v2sf);
	(v2sf) =	vpush v15, $0x4  }
0x153: {  	v45 =	vsub.f32 v63, v8;
	v25 =	vld [tilespmem:s13+$0x110];
	[dreg:$0x5] =	wrdreg s24;
	s24 =	spop (v2sf);
	(v2sf) =	vpush v14, $0x3  }
0x154: {  	v22 =	vld [tilespmem:s13+$0x180];
	v11 =	vadd.f32 v17, v11;
	s20 =	spop (v2sf);
	(v2sf) =	vpush v15, $0x3;
	v17 =	vnsel vm11, $0x0, v12;
	v12 =	vpop (erf)  }
0x155: {  	v23 =	vld [tilespmem:s13+$0x190];
	s28 =	spop (v2sf);
	(v2sf) =	vpush v14, $0x2;
	vm13 =	vnez.u8 v16;
	v16 =	vpop (erf);
	vm14 =	vnez.u8 v13  }
0x156: {  	v30 =	vsub.f32 v30, v10;
	s22 =	spop (v2sf);
	(v2sf) =	vpush v15, $0x2;
	v13 =	vnsel vm14, $0x0, v16;
	v16 =	vld [tilespmem:$0x1FFF0]  }
0x157: {  	v21 =	vld [tilespmem:s13+$0x210];
	v11 =	vadd.f32 v17, v11;
	(v2sf) =	vpush v14, $0x1;
	s30 =	spop (v2sf)  }
0x158: {  	v29 =	vsub.f32 v29, v8;
	v18 =	vld [tilespmem:s13+$0x280];
	(v2sf) =	vpush v15, $0x1;
	s21 =	spop (v2sf);
	v17 =	vnsel vm13, $0x0, v12  }
0x159: {  	(v2sf) =	vpush v14, $0x0;
	s31 =	spop (v2sf);
	v11 =	vadd.f32 v17, v11;
	v17 =	vld [tilespmem:s13+$0x310]  }
0x15a: {  	(v2sf) =	vpush v15, $0x0;
	s23 =	spop (v2sf);
	v2 =	vadd.f32 v13, v2;
	v13 =	vld [tilespmem:s13+$0x390]  }
0x15b: {  	v26 =	vsub.f32 v26, v10;
	v43 =	vsub.f32 v31, v8;
	v19 =	vld [tilespmem:s13+$0x290];
	s9 =	spop (v2sf);
	v12 =	vpop (erf);
	vm15 =	vnez.u8 v16  }
0x15c: {  	v24 =	vsub.f32 v24, v10;
	v25 =	vsub.f32 v25, v8;
	[dreg:$0x4] =	wrdreg s25;
	v14 =	vld [tilespmem:s13+$0xFFFFFF80];
	s25 =	spop (v2sf);
	v12 =	vnsel vm15, $0x0, v12  }
0x15d: {  	v22 =	vsub.f32 v22, v10;
	s10 =	spop (v2sf);
	v11 =	vadd.f32 v12, v11;
	v12 =	vld [tilespmem:s13+$0x380]  }
0x15e: {  	v23 =	vsub.f32 v23, v8;
	v18 =	vsub.f32 v18, v10;
	[dreg:$0x6] =	wrdreg s26;
	s26 =	spop (v2sf);
	v16 =	vld [tilespmem:s13+$0x300]  }
0x15f: {  	v31 =	vmul.f32 $1.442695020e+00, v30;
	s3 =	spop (v2sf);
	v17 =	vsub.f32 v17, v8;
	v27 =	vsub.f32 v13, v8;
	v13 =	vld [tilespmem:s13+$0x90]  }
0x160: {  	v30 =	vmul.f32 $1.442695020e+00, v61;
	v21 =	vsub.f32 v21, v8;
	v20 =	vld [tilespmem:s13+$0x200];
	v19 =	vsub.f32 v19, v8;
	p2 =	seq.s32 s12, $0x1;
	s12 =	rddreg [dreg:$0x6];
	s29 =	spop (v2sf)  }
0x161: {  	p4 =	seq.s32 s12, $0x1;
	s12 =	sld [smem:$0x7FD];
	v15 =	vld [tilespmem:s13+$0xFFFFFF90];
	v58 =	vsub.f32 v14, v10;
	s5 =	spop (v2sf);
	v14 =	vmul.f32 $1.442695020e+00, v17;
	v17 =	vmul.f32 $1.442695020e+00, v18  }
0x162: {  	v28 =	vld [tilespmem:s13+$0x0];
	s0 =	spop (v2sf);
	v18 =	vmul.f32 $1.442695020e+00, v21;
	v21 =	vmul.f32 $1.442695020e+00, v22;
	v12 =	vsub.f32 v12, v10  }
0x163: {  	v54 =	vld [tilespmem:s13+$0xFFFFFE80];
	s2 =	spop (v2sf);
	v22 =	vmul.f32 $1.442695020e+00, v25;
	v25 =	vmul.f32 $1.442695020e+00, v26;
	v16 =	vsub.f32 v16, v10  }
0x164: {  	p0 =	seq.s32 s12, $0x1;
	s1 =	spop (v2sf);
	v55 =	vsub.f32 v13, v8;
	v13 =	vmul.f32 $1.442695020e+00, v12;
	v12 =	vmul.f32 $1.442695020e+00, v27;
	v27 =	vld [tilespmem:s13+$0xFFFFFD80]  }
.Ltmp1:
0x165: {  	v20 =	vsub.f32 v20, v10;
	s4 =	spop (v2sf);
	v26 =	vmul.f32 $1.442695020e+00, v29;
	v29 =	vmul.f32 $1.442695020e+00, v58;
	(pc) =	sbr.rel @p0 .LBB2_4-.Ltmp1, $4  }
0x166: {  	v47 =	vld [tilespmem:s13+$0xFFFFFC90];
	v59 =	vsub.f32 v15, v8;
	s11 =	spop (v2sf);
	v15 =	vmul.f32 $1.442695020e+00, v16;
	v16 =	vmul.f32 $1.442695020e+00, v19  }
0x167: {  	v46 =	vld [tilespmem:s13+$0xFFFFFC80];
	v28 =	vsub.f32 v28, v10;
	s7 =	rddreg [dreg:$0x4];
	s6 =	spop (v2sf);
	v19 =	vmul.f32 $1.442695020e+00, v20;
	v20 =	vmul.f32 $1.442695020e+00, v23  }
0x168: {  	v49 =	vld [tilespmem:s13+$0xFFFFFC00];
	v35 =	vsub.f32 v54, v10;
	p1 =	seq.s32 s7, $0x1;
	s7 =	rddreg [dreg:$0x5];
	s8 =	spop (v2sf);
	v23 =	vmul.f32 $1.442695020e+00, v24;
	v24 =	vmul.f32 $1.442695020e+00, v55  }
0x169: {  	s14 =	sadd.s32 $0x40, s14;
	v48 =	vld [tilespmem:s13+$0xFFFFFC10];
	p3 =	seq.s32 s7, $0x1;
	s7 =	spop (v2sf);
	v42 =	vsub.f32 v27, v10;
	v27 =	vmul.f32 $1.442695020e+00, v28;
	v28 =	vmul.f32 $1.442695020e+00, v59  }
0x16a: {  	p0 =	seq.s32 s28, $0x1;
	p5 =	seq.s32 s24, $0x1;
	p6 =	seq.s32 s9, $0x1  }
0x16b: {  	s16 =	simm.s32 @p1 $0x20;
	p1 =	seq.s32 s31, $0x1;
	s15 =	simm.s32 @p3 $0x20;
	v35 =	vmul.f32 $1.442695020e+00, v35;
	v38 =	vmul.f32 $1.442695020e+00, v38  }
0x16c: {  	p3 =	seq.s32 s30, $0x1;
	s19 =	simm.s32 @p2 $0x20;
	s17 =	simm.s32 @p4 $0x20;
	v40 =	vmul.f32 $1.442695020e+00, v40;
	v41 =	vmul.f32 $1.442695020e+00, v41  }
0x16d: {  	p4 =	seq.s32 s3, $0x1;
	p2 =	seq.s32 s5, $0x1;
	v43 =	vmul.f32 $1.442695020e+00, v43;
	v44 =	vmul.f32 $1.442695020e+00, v44;
	s9 =	simm.s32 @!p6 $0x0  }
0x16e: {  	v45 =	vmul.f32 $1.442695020e+00, v45;
	s20 =	simm.s32 @p0 $0x20;
	s18 =	simm.s32 @p5 $0x20;
	v39 =	vmov s15;
	v32 =	vmov s19;
	s9 =	simm.s32 @p6 $0x1  }
0x16f: {  	p0 =	seq.s32 s2, $0x1;
	v36 =	vmov s17;
	s22 =	simm.s32 @p3 $0x20;
	v37 =	vmov s16;
	v47 =	vsub.f32 v47, v8;
	[smem:$0x7F9] =	sst s9  }
0x170: {  	s21 =	simm.s32 @p1 $0x20;
	s29 =	simm.s32 @p2 $0x20;
	v42 =	vmul.f32 $1.442695020e+00, v42;
	v50 =	vmov s22;
	v33 =	vmov s20;
	s24 =	sld [smem:$0x7F9]  }
0x171: {  	p1 =	seq.s32 s4, $0x1;
	s26 =	simm.s32 @p4 $0x20;
	v34 =	vmov s18;
	s0 =	simm.s32 @p0 $0x20;
	v53 =	vmov s21;
	v55 =	vmov s29  }
0x172: {  	v56 =	vmov s26;
	s1 =	simm.s32 @p1 $0x20;
	v46 =	vsub.f32 v46, v10;
	v54 =	vmov s0  }
0x173: {  	v49 =	vsub.f32 v49, v10;
	v59 =	vmov s1;
	v47 =	vmul.f32 $1.442695020e+00, v47;
	p3 =	seq.s32 s24, $0x1  }
0x174: {  	vm1 =	vgt.s32 v53, v0;
	vm0 =	vgt.s32 v50, v0;
	vm2 =	vgt.s32 v56, v0;
	s23 =	simm.s32 @p3 $0x20;
	p3 =	seq.s32 s7, $0x1  }
0x175: {  	p6 =	seq.s32 s10, $0x1;
	vm4 =	vgt.s32 v55, v0;
	vm12 =	vgt.s32 v56, v1;
	v48 =	vsub.f32 v48, v8;
	s8 =	simm.s32 @p3 $0x20  }
0x176: {  	p0 =	seq.s32 s6, $0x1;
	s25 =	simm.s32 @p6 $0x20;
	vm15 =	vgt.s32 v34, v1;
	v49 =	vmul.f32 $1.442695020e+00, v49;
	v57 =	vmov s8  }
0x177: {  	s11 =	simm.s32 @p0 $0x20;
	v51 =	vmov s25;
	v48 =	vmul.f32 $1.442695020e+00, v48;
	vm7 =	vgt.s32 v57, v0  }
0x178: {  	v58 =	vmov s11;
	vm11 =	vgt.s32 v57, v1;
	v49 =	vnsel vm7, $0x0, v49  }
0x179: {  	v46 =	vmul.f32 $1.442695020e+00, v46;
	v48 =	vnsel vm11, $0x0, v48;
	(erf) = vpow2.f32 v49  }
0x17a: {  	vm8 =	vgt.s32 v59, v0;
	vm10 =	vgt.s32 v58, v0;
	(erf) = vpow2.f32 v48  }
0x17b: {  	vm14 =	vgt.s32 v59, v1;
	vm13 =	vgt.s32 v54, v0;
	v46 =	vnsel vm10, $0x0, v46  }
0x17c: {  	vm6 =	vgt.s32 v54, v1;
	vm9 =	vgt.s32 v58, v1;
	(erf) = vpow2.f32 v46  }
0x17d: {  	v40 =	vnsel vm4, $0x0, v40;
	v35 =	vnsel vm2, $0x0, v35;
	v49 =	vnsel vm9, $0x0, v47  }
0x17e: {  	v38 =	vnsel vm12, $0x0, v38;
	v44 =	vnsel vm8, $0x0, v44;
	(erf) = vpow2.f32 v49  }
0x17f: {  	v27 =	vnsel vm1, $0x0, v27;
	v25 =	vnsel vm0, $0x0, v25;
	(erf) = vpow2.f32 v44  }
0x180: {  	v20 =	vnsel vm15, $0x0, v20;
	vm3 =	vgt.s32 v51, v0;
	v54 =	vnsel vm14, $0x0, v45  }
0x181: {  	v42 =	vnsel vm13, $0x0, v42;
	v43 =	vnsel vm6, $0x0, v43;
	v52 =	vmov s23  }
0x182: {  	v31 =	vnsel vm3, $0x0, v31;
	vm5 =	vgt.s32 v52, v0;
	v57 =	vpop (erf);
	(erf) = vpow2.f32 v54  }
0x183: {  	v29 =	vnsel vm5, $0x0, v29;
	v58 =	vnsel vm7, $0x0, v57;
	(erf) = vpow2.f32 v42;
	v59 =	vpop (erf)  }
0x184: {  	vm7 =	vgt.s32 v55, v1;
	(erf) = vpow2.f32 v43;
	v42 =	vnsel vm11, $0x0, v59  }
0x185: {  	v41 =	vnsel vm7, $0x0, v41;
	v60 =	vpop (erf);
	vm11 =	vgt.s32 v51, v1;
	v2 =	vadd.f32 v58, v2  }
0x186: {  	(erf) = vpow2.f32 v40;
	v40 =	vnsel vm10, $0x0, v60;
	vm10 =	vgt.s32 v52, v1  }
0x187: {  	v61 =	vpop (erf);
	v30 =	vnsel vm11, $0x0, v30;
	v11 =	vadd.f32 v42, v11;
	(erf) = vpow2.f32 v41  }
0x188: {  	v62 =	vpop (erf);
	v28 =	vnsel vm10, $0x0, v28;
	v2 =	vadd.f32 v2, v40;
	(erf) = vpow2.f32 v35  }
0x189: {  	v35 =	vnsel vm9, $0x0, v61;
	v63 =	vnsel vm8, $0x0, v62;
	(erf) = vpow2.f32 v38  }
0x18a: {  	vm9 =	vgt.s32 v53, v1;
	vm8 =	vgt.s32 v50, v1;
	(erf) = vpow2.f32 v31  }
0x18b: {  	v26 =	vnsel vm9, $0x0, v26;
	v24 =	vnsel vm8, $0x0, v24;
	(erf) = vpow2.f32 v30  }
0x18c: {  	v11 =	vadd.f32 v11, v35;
	v2 =	vadd.f32 v2, v63;
	v43 =	vpop (erf);
	(erf) = vpow2.f32 v29  }
0x18d: {  	v45 =	vnsel vm14, $0x0, v43;
	v46 =	vpop (erf);
	(erf) = vpow2.f32 v28;
	vm14 =	vgt.s32 v33, v1  }
0x18e: {  	v47 =	vpop (erf);
	(erf) = vpow2.f32 v27;
	v48 =	vnsel vm13, $0x0, v46;
	vm13 =	vgt.s32 v33, v0  }
0x18f: {  	v11 =	vadd.f32 v45, v11;
	v22 =	vnsel vm14, $0x0, v22;
	v49 =	vpop (erf);
	(erf) = vpow2.f32 v26  }
0x190: {  	v51 =	vnsel vm6, $0x0, v47;
	v23 =	vnsel vm13, $0x0, v23;
	vm6 =	vgt.s32 v36, v0  }
0x191: {  	v2 =	vadd.f32 v48, v2;
	v50 =	vpop (erf);
	(erf) = vpow2.f32 v25;
	v53 =	vnsel vm4, $0x0, v49  }
0x192: {  	vm4 =	vgt.s32 v37, v0;
	v11 =	vadd.f32 v51, v11;
	v17 =	vnsel vm6, $0x0, v17  }
0x193: {  	v52 =	vpop (erf);
	(erf) = vpow2.f32 v24;
	v26 =	vnsel vm7, $0x0, v50;
	vm7 =	vgt.s32 v36, v1  }
0x194: {  	v2 =	vadd.f32 v53, v2;
	v15 =	vnsel vm4, $0x0, v15;
	v54 =	vpop (erf);
	(erf) = vpow2.f32 v23  }
0x195: {  	v55 =	vnsel vm2, $0x0, v52;
	vm2 =	vgt.s32 v39, v0;
	v11 =	vadd.f32 v26, v11;
	v57 =	vpop (erf)  }
0x196: {  	v16 =	vnsel vm7, $0x0, v16;
	v56 =	vnsel vm12, $0x0, v54;
	vm12 =	vgt.s32 v32, v1;
	v58 =	vpop (erf)  }
0x197: {  	v2 =	vadd.f32 v55, v2;
	v13 =	vnsel vm2, $0x0, v13;
	v31 =	vnsel vm3, $0x0, v57;
	v59 =	vpop (erf)  }
0x198: {  	vm3 =	vgt.s32 v39, v1;
	v11 =	vadd.f32 v56, v11;
	v18 =	vnsel vm12, $0x0, v18;
	v60 =	vpop (erf)  }
0x199: {  	v38 =	vnsel vm11, $0x0, v58;
	v61 =	vnsel vm10, $0x0, v60;
	v62 =	vpop (erf);
	vm10 =	vgt.s32 v34, v0  }
0x19a: {  	(erf) = vpow2.f32 v22;
	v2 =	vadd.f32 v31, v2;
	v63 =	vpop (erf);
	v21 =	vnsel vm10, $0x0, v21  }
0x19b: {  	v36 =	vnsel vm1, $0x0, v62;
	vm1 =	vgt.s32 v32, v0;
	v41 =	vpop (erf);
	(erf) = vpow2.f32 v21  }
0x19c: {  	v12 =	vnsel vm3, $0x0, v12;
	v19 =	vnsel vm1, $0x0, v19;
	v42 =	vpop (erf);
	(erf) = vpow2.f32 v20  }
0x19d: {  	v39 =	vnsel vm5, $0x0, v59;
	v11 =	vadd.f32 v38, v11;
	v44 =	vpop (erf);
	(erf) = vpow2.f32 v19  }
0x19e: {  	vm5 =	vgt.s32 v37, v1;
	v2 =	vadd.f32 v39, v2;
	(erf) = vpow2.f32 v18  }
0x19f: {  	v14 =	vnsel vm5, $0x0, v14;
	v11 =	vadd.f32 v61, v11;
	(erf) = vpow2.f32 v17  }
0x1a0: {  	v40 =	vnsel vm9, $0x0, v63;
	v2 =	vadd.f32 v36, v2;
	(erf) = vpow2.f32 v16  }
0x1a1: {  	v30 =	vnsel vm0, $0x0, v41;
	v11 =	vadd.f32 v40, v11;
	(erf) = vpow2.f32 v15  }
0x1a2: {  	v43 =	vnsel vm8, $0x0, v42;
	v2 =	vadd.f32 v30, v2;
	(erf) = vpow2.f32 v14  }
0x1a3: {  	v45 =	vnsel vm13, $0x0, v44;
	v11 =	vadd.f32 v43, v11;
	v46 =	vpop (erf);
	(erf) = vpow2.f32 v13  }
0x1a4: {  	v2 =	vadd.f32 v45, v2;
	v47 =	vnsel vm14, $0x0, v46;
	v48 =	vpop (erf);
	(erf) = vpow2.f32 v12  }
0x1a5: {  	v11 =	vadd.f32 v47, v11;
	v49 =	vnsel vm10, $0x0, v48;
	v50 =	vpop (erf)  }
0x1a6: {  	v13 =	vnsel vm15, $0x0, v50;
	v51 =	vpop (erf);
	v2 =	vadd.f32 v49, v2  }
0x1a7: {  	v52 =	vnsel vm1, $0x0, v51;
	v11 =	vadd.f32 v13, v11;
	v53 =	vpop (erf)  }
0x1a8: {  	[tilespmem:$0x4100] =	vst v10;
	v13 =	vnsel vm12, $0x0, v53;
	v54 =	vpop (erf);
	v2 =	vadd.f32 v52, v2  }
0x1a9: {  	[tilespmem:$0x4180] =	vst v8;
	v55 =	vnsel vm6, $0x0, v54;
	v11 =	vadd.f32 v13, v11;
	v56 =	vpop (erf)  }
0x1aa: {  	[tilespmem:$0x4300] =	vst v9;
	v13 =	vnsel vm7, $0x0, v56;
	v57 =	vpop (erf);
	v2 =	vadd.f32 v55, v2  }
0x1ab: {  	[tilespmem:$0x4380] =	vst v7;
	v58 =	vnsel vm4, $0x0, v57;
	v11 =	vadd.f32 v13, v11;
	v59 =	vpop (erf)  }
0x1ac: {  	[tilespmem:$0x4400] =	vst v6;
	v13 =	vnsel vm5, $0x0, v59;
	v60 =	vpop (erf);
	v2 =	vadd.f32 v58, v2  }
0x1ad: {  	[tilespmem:$0x4480] =	vst v5;
	v61 =	vnsel vm2, $0x0, v60;
	v11 =	vadd.f32 v13, v11;
	v62 =	vpop (erf)  }
0x1ae: {  	[tilespmem:$0x4500] =	vst v4;
	v13 =	vnsel vm3, $0x0, v62;
	v2 =	vadd.f32 v61, v2  }
0x1af: {  	[tilespmem:$0x4580] =	vst v3;
	v63 =	vadd.f32 v13, v11  }
0x1b0: {  	s28 =	rddreg [dreg:$0xa];
	[tilespmem:$0x4200] =	vst v2  }
0x1b1: {  	s29 =	simm.s32 $0x4100;
	s1 =	simm.s32 $0x1;
	s7 =	simm.s32 $0x0;
	[tilespmem:$0x4280] =	vst v63  }
0x1b2: {  	[hbm4b:s28+s7] =	stream.linear.scatter [tilespmem:s29], [sflag:$0x1], $0x500, $0x38;
	[tilespmem:$0x4900] =	vst v63  }
0x1b3: {  	_ =	swait.ge [sflag:s1], $0x500  }
0x1b4: {  	s30 =	rddreg [dreg:$0xc]  }
0x1b5: {  	s31 =	rddreg [dreg:$0xb];
	s2 =	sadd.s32 $0x1, s30  }
0x1b6: {  	p0 =	sne.s32 s2, s31  }
.Ltmp2:
0x1b7: {  	_ = 	snop;
	(pc) =	sbr.rel @p0 .LBB2_1-.Ltmp2, $3  }
0x1b8: {  	_ =	sdelay $0x1  }
0x1b9: {  	[sflag:s1] =	ssyncset.done $0x0  }
0x1ba: {  	[sflag:s1] =	ssyncadd.s32 $0xFFFFFB00  }
0x1bb: {  	_ =	sfence.sel $0x180000  }
0x1bc: {  	[bflag:$0x0] =	sbarrier.arrive $0xFFFF  }
0x1bd: {  	_ =	strace $0x90000047  }
0x1be: {  	s0 =	stileid.u32;
	[bflag:$0x2] =	sbarrier.arrive $0xFFFF  }
0x1bf: {  	p0 =	sne.s32 s0, $0x0;
	s0 =	rddreg [dreg:$0x3]  }
0x1c0: {  	s0 =	sadd.s32 @!p0 $0x100000, s0  }
0x1c1: {  	[sflag:s0] =	ssyncadd.tile.s32 @!p0 $0x1;
	_ =	shalt  }
.Lfunc_end2:
_tile_overlayer_lowered:
.L_overlay_start_2:
0x1c2: {  	(tag) =	ssettag $0x2  }
0x1c3: {  	s0 =	rddreg [dreg:$0x0];
	s2 =	stileid.u32  }
0x1c4: {  	s1 =	rddreg [dreg:$0x1];
	p0 =	sne.s32 s2, $0x0  }
0x1c5: {  	s3 =	rddreg [dreg:$0x2];
	[bflag:$0x3] =	sbarrier.arrive $0xFFFF;
	s2 =	simm.s32 @!p0 $0x1C01  }
0x1c6: {  	[timem:s3], [sflag:s2] =	dma.local @!p0 [hbm:s0], s1  }
0x1c7: {  	s0 =	simm.s32 @!p0 $0x1  }
0x1c8: {  	_ =	swait.ge @!p0 [sflag:s0], s1  }
0x1c9: {  	s1 =	ssub.s32 @!p0 $0x0, s1;
	[sflag:s0] =	ssyncset.done @!p0 $0x0  }
0x1ca: {  	[sflag:s0] =	ssyncadd.s32 @!p0 s1  }
0x1cb: {  	[bflag:$0x3] =	sbarrier.arrive $0xFFFF  }
0x1cc: {  	_ =	shalt  }

</sc_bundles>
